<compile_context>
chip_gen: v7x
topology: tpu7x:2x2x1
jax: 0.10.2.dev20260603
libtpu: 0.0.44.dev20260713+nightly
codegen_flags: <defaults>
</compile_context>

<pallas_src>
import functools

import jax
import jax.numpy as jnp
import numpy as np
from jax import lax
from jax.experimental import pallas as pl
from jax.experimental.pallas import tpu as pltpu
from jax.experimental.pallas import tpu_sc as plsc

N = 32768
M = 65536
EPS = 1e-5
NS0, NS1 = 16, 32
B0, B1 = N * NS0, N * NS1

_MASK_HI = np.uint32(0xFFFF0000)


def _pack_rows(y):
    lo = lax.bitcast_convert_type(
        y[:, :32].astype(jnp.bfloat16).astype(jnp.float32), jnp.uint32)
    hi = lax.bitcast_convert_type(
        y[:, 32:].astype(jnp.bfloat16).astype(jnp.float32), jnp.uint32)
    return lax.bitcast_convert_type(hi | (lo >> 16), jnp.int32)


def _unpack128(w):
    u = lax.bitcast_convert_type(w, jnp.uint32)
    lo = lax.bitcast_convert_type(u << 16, jnp.float32)
    hi = lax.bitcast_convert_type(u & _MASK_HI, jnp.float32)
    return lo, hi



def _prep_body(vidx_ref, vf_ref, wct0_ref, wct1_ref, wft_ref, y0_ref, y1_ref):
    cx = (vidx_ref[:, 3:4].astype(jnp.float32) + 0.5) * 0.05
    cy = (vidx_ref[:, 2:3].astype(jnp.float32) + 0.5) * 0.05 - 40.0
    cz = (vidx_ref[:, 1:2].astype(jnp.float32) + 0.5) * 0.1 - 3.0
    vf = vf_ref[...].astype(jnp.bfloat16)
    yy = jnp.dot(vf, wft_ref[...], preferred_element_type=jnp.float32)
    y0 = (cx * wct0_ref[0:1, :] + cy * wct0_ref[1:2, :] + cz * wct0_ref[2:3, :]
          + yy[:, :64])
    y1 = (cx * wct1_ref[0:1, :] + cy * wct1_ref[1:2, :] + cz * wct1_ref[2:3, :]
          + yy[:, 64:])
    y0_ref[...] = _pack_rows(y0)
    y1_ref[...] = _pack_rows(y1)


def _prep(v_indices, v_features, wct0, wct1, wft):
    MB = 4096
    return pl.pallas_call(
        _prep_body,
        grid=(M // MB,),
        in_specs=[
            pl.BlockSpec((MB, 4), lambda i: (i, 0)),
            pl.BlockSpec((MB, 64), lambda i: (i, 0)),
            pl.BlockSpec((8, 64), lambda i: (0, 0)),
            pl.BlockSpec((8, 64), lambda i: (0, 0)),
            pl.BlockSpec((64, 128), lambda i: (0, 0)),
        ],
        out_specs=[
            pl.BlockSpec((MB, 32), lambda i: (i, 0)),
            pl.BlockSpec((MB, 32), lambda i: (i, 0)),
        ],
        out_shape=[
            jax.ShapeDtypeStruct((M, 32), jnp.int32),
            jax.ShapeDtypeStruct((M, 32), jnp.int32),
        ],
    )(v_indices, v_features, wct0, wct1, wft)



def _make_sc_gather(B, CH4=512):
    NW = 32
    R4 = (B // 4) // NW
    K = R4 // CH4
    mesh = plsc.VectorSubcoreMesh(core_axis_name="c", subcore_axis_name="s")

    @functools.partial(
        pl.kernel,
        mesh=mesh,
        compiler_params=pltpu.CompilerParams(use_tc_tiling_on_sc=False),
        out_type=jax.ShapeDtypeStruct((B // 4, 128), jnp.int32),
        scratch_types=(
            [pltpu.VMEM((CH4,), jnp.int32) for _ in range(4)]
            + [pltpu.VMEM((CH4, 32), jnp.int32) for _ in range(4)]
            + [pltpu.SemaphoreType.DMA]
            + [pltpu.SemaphoreType.DMA for _ in range(4)]
        ),
    )
    def gather(table_hbm, idxT_hbm, out_hbm, i0, i1, i2, i3,
               r0, r1, r2, r3, gsem, w0, w1, w2, w3):
        wid = lax.axis_index("s") * 2 + lax.axis_index("c")
        base4 = wid * R4
        idxs = (i0, i1, i2, i3)
        rows = (r0, r1, r2, r3)
        wsems = (w0, w1, w2, w3)

        def chunk(c, first):
            off4 = base4 + c * CH4
            for k in range(4):
                dst = out_hbm.at[pl.ds(off4, CH4), pl.ds(32 * k, 32)]
                pltpu.sync_copy(
                    idxT_hbm.at[pl.ds(k * (B // 4) + off4, CH4)], idxs[k])
                if not first:
                    pltpu.make_async_copy(rows[k], dst, wsems[k]).wait()
                pltpu.async_copy(table_hbm.at[idxs[k]], rows[k], gsem).wait()
                pltpu.async_copy(rows[k], dst, wsems[k])

        chunk(0, True)

        def step(c, carry):
            chunk(c, False)
            return carry

        lax.fori_loop(1, K, step, 0)
        for k in range(4):
            pltpu.make_async_copy(
                rows[k], out_hbm.at[pl.ds(base4, CH4), pl.ds(32 * k, 32)],
                wsems[k]).wait()

    return gather



def _q128(pxr_ref, wct_ref):
    return (pxr_ref[:, 0:1] * wct_ref[0:1, :]
            + pxr_ref[:, 1:2] * wct_ref[1:2, :]
            + pxr_ref[:, 2:3] * wct_ref[2:3, :])


def _stats1_body(gat_ref, pxr_ref, wctl_ref, wcth_ref, out_ref):
    lo, hi = _unpack128(gat_ref[...])
    nm = pxr_ref[:, 3:4]
    y1l = lo * nm - _q128(pxr_ref, wctl_ref)[None]
    y1h = hi * nm - _q128(pxr_ref, wcth_ref)[None]
    part = jnp.concatenate([
        jnp.sum(y1l, axis=(0, 1))[None],
        jnp.sum(y1l * y1l, axis=(0, 1))[None],
        jnp.sum(y1h, axis=(0, 1))[None],
        jnp.sum(y1h * y1h, axis=(0, 1))[None],
        jnp.zeros((4, 128), jnp.float32),
    ], axis=0)

    @pl.when(pl.program_id(0) == 0)
    def _init():
        out_ref[...] = jnp.zeros_like(out_ref)

    out_ref[...] += part


def _stats1(gat3, px4, wctl, wcth, PB):
    S4 = gat3.shape[0]
    return pl.pallas_call(
        _stats1_body,
        grid=(N // PB,),
        in_specs=[
            pl.BlockSpec((S4, PB, 128), lambda i: (0, i, 0)),
            pl.BlockSpec((PB, 4), lambda i: (i, 0)),
            pl.BlockSpec((8, 128), lambda i: (0, 0)),
            pl.BlockSpec((8, 128), lambda i: (0, 0)),
        ],
        out_specs=pl.BlockSpec((8, 128), lambda i: (0, 0)),
        out_shape=jax.ShapeDtypeStruct((8, 128), jnp.float32),
    )(gat3, px4, wctl, wcth)



def _make_main_body(PB, ns, O):
    S4 = ns // 4
    RB = PB * S4

    def body(gat_ref, pxr_ref, wctl_ref, wcth_ref, bn1_ref, w4_ref,
             raw_ref, st2_ref):
        lo, hi = _unpack128(gat_ref[...])
        nm = pxr_ref[:, 3:4]
        y1l = lo * nm - _q128(pxr_ref, wctl_ref)[None]
        y1h = hi * nm - _q128(pxr_ref, wcth_ref)[None]
        zl = jnp.maximum((y1l - bn1_ref[0:1, :]) * bn1_ref[2:3, :], 0.0)
        zh = jnp.maximum((y1h - bn1_ref[1:2, :]) * bn1_ref[3:4, :], 0.0)
        zcat = jnp.concatenate([zl, zh], axis=2).astype(jnp.bfloat16)
        y2 = jnp.dot(zcat.reshape(RB, 256), w4_ref[...],
                     preferred_element_type=jnp.float32)
        part = jnp.concatenate([
            jnp.sum(y2, axis=0, keepdims=True),
            jnp.sum(y2 * y2, axis=0, keepdims=True),
            jnp.zeros((6, 4 * O), jnp.float32),
        ], axis=0)

        @pl.when(pl.program_id(0) == 0)
        def _init():
            st2_ref[...] = jnp.zeros_like(st2_ref)

        st2_ref[...] += part
        m4 = jnp.max(y2.reshape(S4, PB, 4 * O), axis=0)
        raw_ref[...] = jnp.maximum(
            jnp.maximum(m4[:, :O], m4[:, O:2 * O]),
            jnp.maximum(m4[:, 2 * O:3 * O], m4[:, 3 * O:]))

    return body


def _main(gat3, px4, wctl, wcth, bn1, w4, PB, ns, O):
    S4 = ns // 4
    return pl.pallas_call(
        _make_main_body(PB, ns, O),
        grid=(N // PB,),
        in_specs=[
            pl.BlockSpec((S4, PB, 128), lambda i: (0, i, 0)),
            pl.BlockSpec((PB, 4), lambda i: (i, 0)),
            pl.BlockSpec((8, 128), lambda i: (0, 0)),
            pl.BlockSpec((8, 128), lambda i: (0, 0)),
            pl.BlockSpec((8, 128), lambda i: (0, 0)),
            pl.BlockSpec((256, 4 * O), lambda i: (0, 0)),
        ],
        out_specs=[
            pl.BlockSpec((PB, O), lambda i: (i, 0)),
            pl.BlockSpec((8, 4 * O), lambda i: (0, 0)),
        ],
        out_shape=[
            jax.ShapeDtypeStruct((N, O), jnp.float32),
            jax.ShapeDtypeStruct((8, 4 * O), jnp.float32),
        ],
    )(gat3, px4, wctl, wcth, bn1, w4)



def _finish_body(r0_ref, r1_ref, bn2_ref, out_ref):
    x = jnp.concatenate([r0_ref[...], r1_ref[...]], axis=1)
    out_ref[...] = jnp.maximum((x - bn2_ref[0:1, :]) * bn2_ref[1:2, :], 0.0)


def _finish(raw0, raw1, bn2):
    PB = 2048
    return pl.pallas_call(
        _finish_body,
        grid=(N // PB,),
        in_specs=[
            pl.BlockSpec((PB, 64), lambda i: (i, 0)),
            pl.BlockSpec((PB, 128), lambda i: (i, 0)),
            pl.BlockSpec((8, 192), lambda i: (0, 0)),
        ],
        out_specs=pl.BlockSpec((PB, 192), lambda i: (i, 0)),
        out_shape=jax.ShapeDtypeStruct((N, 192), jnp.float32),
    )(raw0, raw1, bn2)


def _tile4(v):
    return jnp.tile(v[None, :], (1, 4))


def _bn1_coeffs(st, cnt):
    def fold(row):
        r = st[row].reshape(4, 32)
        return jnp.sum(r, axis=0)
    m_lo, m_hi = fold(0) / cnt, fold(2) / cnt
    i_lo = lax.rsqrt(fold(1) / cnt - m_lo * m_lo + EPS)
    i_hi = lax.rsqrt(fold(3) / cnt - m_hi * m_hi + EPS)
    rows = [jnp.tile(m_lo, 4)[None], jnp.tile(m_hi, 4)[None],
            jnp.tile(i_lo, 4)[None], jnp.tile(i_hi, 4)[None],
            jnp.zeros((4, 128), jnp.float32)]
    return jnp.concatenate(rows, axis=0)


def _bn2_coeffs(st2, cnt, O):
    s = jnp.sum(st2[0].reshape(4, O), axis=0)
    ss = jnp.sum(st2[1].reshape(4, O), axis=0)
    m = s / cnt
    inv = lax.rsqrt(ss / cnt - m * m + EPS)
    return m, inv


def _block_diag4(w1t):
    O = w1t.shape[1]
    eye = jnp.eye(4, dtype=w1t.dtype)
    lo = jnp.kron(eye, w1t[:32])
    hi = jnp.kron(eye, w1t[32:])
    return jnp.concatenate([lo, hi], axis=0)


def kernel(v_features, p_coords, W0_0, W0_1, W1_0, W1_1, v_indices,
           p_map0, p_map1, empty0, empty1):
    f32 = jnp.float32
    p_xyz = p_coords[:, 1:4]
    nm0 = (1.0 - empty0.astype(f32))[:, None]
    nm1 = (1.0 - empty1.astype(f32))[:, None]
    px0 = jnp.concatenate([p_xyz * nm0, nm0], axis=1)
    px1 = jnp.concatenate([p_xyz * nm1, nm1], axis=1)
    pm0 = p_map0.reshape(N, NS0 // 4, 4).transpose(2, 1, 0).reshape(-1)
    pm1 = p_map1.reshape(N, NS1 // 4, 4).transpose(2, 1, 0).reshape(-1)

    def wct_tiles(W):
        wct = W[:, :3].T
        l = jnp.pad(jnp.tile(wct[:, :32], (1, 4)), ((0, 5), (0, 0)))
        h = jnp.pad(jnp.tile(wct[:, 32:], (1, 4)), ((0, 5), (0, 0)))
        return l, h

    wctl0, wcth0 = wct_tiles(W0_0)
    wctl1, wcth1 = wct_tiles(W1_0)
    wct0 = jnp.pad(W0_0[:, :3].T, ((0, 5), (0, 0)))
    wct1 = jnp.pad(W1_0[:, :3].T, ((0, 5), (0, 0)))
    wft = jnp.concatenate([W0_0[:, 3:].T, W1_0[:, 3:].T],
                          axis=1).astype(jnp.bfloat16)
    w4_0 = _block_diag4(W0_1.T.astype(jnp.bfloat16))
    w4_1 = _block_diag4(W1_1.T.astype(jnp.bfloat16))

    yp0, yp1 = _prep(v_indices, v_features, wct0, wct1, wft)

    gat1 = _make_sc_gather(B1)(yp1, pm1)
    gat0 = _make_sc_gather(B0)(yp0, pm0)
    gat0_3 = gat0.reshape(NS0 // 4, N, 128)
    gat1_3 = gat1.reshape(NS1 // 4, N, 128)

    st1_1 = _stats1(gat1_3, px1, wctl1, wcth1, PB=512)
    st1_0 = _stats1(gat0_3, px0, wctl0, wcth0, PB=1024)
    bn1_0 = _bn1_coeffs(st1_0, float(B0))
    bn1_1 = _bn1_coeffs(st1_1, float(B1))

    raw1, st2_1 = _main(gat1_3, px1, wctl1, wcth1, bn1_1, w4_1,
                        PB=512, ns=NS1, O=128)
    raw0, st2_0 = _main(gat0_3, px0, wctl0, wcth0, bn1_0, w4_0,
                        PB=1024, ns=NS0, O=64)
    m2_0, i2_0 = _bn2_coeffs(st2_0, float(B0), 64)
    m2_1, i2_1 = _bn2_coeffs(st2_1, float(B1), 128)
    bn2 = jnp.concatenate([
        jnp.concatenate([m2_0, m2_1])[None],
        jnp.concatenate([i2_0, i2_1])[None],
        jnp.zeros((6, 192), f32),
    ], axis=0)
    return _finish(raw0, raw1, bn2)

# --- scband reference (transcript-rebuilt; emitter-appended) ---
"""Pipeline reference for scband-voxel-module-msg-26259430048530 (READ-ONLY COPY).

The authoritative reference and input builder live on the scoring server;
editing this copy changes nothing except your own understanding.
"""

import jax, jax.numpy as jnp
import numpy as np

N = 32768
M = 65536
C = 64
NS = [16, 32]
V_SIZE = np.array([0.05, 0.05, 0.1], dtype=np.float32)
MIN_RANGE = np.array([0.0, -40.0, -3.0], dtype=np.float32)
EPS = 1e-5


def setup_inputs(seed: int = 0):
    key = jax.random.key(seed)
    ks = jax.random.split(key, 16)
    v_features = jax.random.normal(ks[0], (M, C), dtype=jnp.float32)
    bi = jnp.zeros((M, 1), dtype=jnp.int32)
    zi = jax.random.randint(ks[1], (M, 1), 0, 41, dtype=jnp.int32)
    yi = jax.random.randint(ks[2], (M, 1), 0, 1600, dtype=jnp.int32)
    xi = jax.random.randint(ks[3], (M, 1), 0, 1408, dtype=jnp.int32)
    v_indices = jnp.concatenate([bi, zi, yi, xi], axis=1)
    span = jnp.array([70.4, 80.0, 4.0], dtype=jnp.float32)
    lo = jnp.array([0.0, -40.0, -3.0], dtype=jnp.float32)
    p_xyz = jax.random.uniform(ks[4], (N, 3), dtype=jnp.float32) * span + lo
    p_coords = jnp.concatenate([jnp.zeros((N, 1), dtype=jnp.float32), p_xyz], axis=1)
    p_map0 = jax.random.randint(ks[5], (N, NS[0]), 0, M, dtype=jnp.int32)
    p_map1 = jax.random.randint(ks[6], (N, NS[1]), 0, M, dtype=jnp.int32)
    empty0 = jax.random.uniform(ks[7], (N,)) < 0.1
    empty1 = jax.random.uniform(ks[8], (N,)) < 0.1
    W0_0 = jax.random.normal(ks[9], (64, 67), dtype=jnp.float32) * np.sqrt(2.0 / 67)
    W0_1 = jax.random.normal(ks[10], (64, 64), dtype=jnp.float32) * np.sqrt(2.0 / 64)
    W1_0 = jax.random.normal(ks[11], (64, 67), dtype=jnp.float32) * np.sqrt(2.0 / 67)
    W1_1 = jax.random.normal(ks[12], (128, 64), dtype=jnp.float32) * np.sqrt(2.0 / 64)
    return {"v_features": v_features, "p_coords": p_coords, "W0_0": W0_0, "W0_1": W0_1, "W1_0": W1_0, "W1_1": W1_1, "v_indices": v_indices, "p_map0": p_map0, "p_map1": p_map1, "empty0": empty0, "empty1": empty1}


def _conv_bn_relu(x, W):
    # Conv2d kernel_size=1 (bias=False) + BatchNorm2d (training-mode batch stats, gamma=1, beta=0) + ReLU
    y = jnp.einsum('oc,bcns->bons', W, x)
    mean = jnp.mean(y, axis=(0, 2, 3), keepdims=True)
    var = jnp.var(y, axis=(0, 2, 3), keepdims=True)
    y = (y - mean) / jnp.sqrt(var + EPS)
    return jax.nn.relu(y)


def _branch(v_features, v_coords, p_coords, p_map, empty, weights):
    # grouping_operation: gather voxel features/coords per point -> [N, C, ns]
    feat = jnp.transpose(jnp.take(v_features, p_map, axis=0), (0, 2, 1))
    coords = jnp.transpose(jnp.take(v_coords, p_map, axis=0), (0, 2, 1))
    rel = coords - p_coords[:, 1:][:, :, None]
    x = jnp.concatenate([rel, feat], axis=1)
    x = jnp.where(empty[:, None, None], 0.0, x)
    x = jnp.transpose(x, (1, 0, 2))[None]  # [1, 3+C, N, ns]
    for W in weights:
        x = _conv_bn_relu(x, W)
    x = jnp.max(x, axis=3)  # max_pool2d over nsample dim
    return jnp.transpose(x[0], (1, 0))


def reference(v_features, p_coords, W0_0, W0_1, W1_0, W1_1, v_indices, p_map0, p_map1, empty0, empty1):
    # get_v_coords_3: voxel index -> metric xyz
    v_xyz_idx = v_indices[:, jnp.array([3, 2, 1])].astype(jnp.float32)
    v_coords = (v_xyz_idx + 0.5) * jnp.asarray(V_SIZE) + jnp.asarray(MIN_RANGE)
    f0 = _branch(v_features, v_coords, p_coords, p_map0, empty0, [W0_0, W0_1])
    f1 = _branch(v_features, v_coords, p_coords, p_map1, empty1, [W1_0, W1_1])
    return jnp.concatenate([f0, f1], axis=1)

if __name__ == "__main__":
    import jax
    _d = setup_inputs()
    print(jax.jit(kernel)(*tuple(_d.values())))

</pallas_src>

<mosaic_0001>
#map = affine_map<(d0, d1) -> (0, 0)>
#map1 = affine_map<(d0, d1) -> (0)>
module attributes {stable_mosaic.version = 14 : i64} {
  func.func @gather(%arg0: i32, %arg1: i32, %arg2: memref<65536x32xi32, #tpu.memory_space<hbm>>, %arg3: memref<1048576xi32, #tpu.memory_space<hbm>>, %arg4: memref<262144x128xi32, #tpu.memory_space<hbm>>, %arg5: memref<512xi32, #tpu.memory_space<vmem>>, %arg6: memref<512xi32, #tpu.memory_space<vmem>>, %arg7: memref<512xi32, #tpu.memory_space<vmem>>, %arg8: memref<512xi32, #tpu.memory_space<vmem>>, %arg9: memref<512x32xi32, #tpu.memory_space<vmem>>, %arg10: memref<512x32xi32, #tpu.memory_space<vmem>>, %arg11: memref<512x32xi32, #tpu.memory_space<vmem>>, %arg12: memref<512x32xi32, #tpu.memory_space<vmem>>, %arg13: memref<!tpu.dma_semaphore, #tpu.memory_space<semaphore_mem>>, %arg14: memref<!tpu.dma_semaphore, #tpu.memory_space<semaphore_mem>>, %arg15: memref<!tpu.dma_semaphore, #tpu.memory_space<semaphore_mem>>, %arg16: memref<!tpu.dma_semaphore, #tpu.memory_space<semaphore_mem>>, %arg17: memref<!tpu.dma_semaphore, #tpu.memory_space<semaphore_mem>>) attributes {dimension_semantics = [#tpu.dimension_semantics<core_parallel>, #tpu.dimension_semantics<subcore_parallel>], iteration_bounds = array<i64: 2, 16>, scalar_prefetch = 0 : i64, scratch_operands = 13 : i64, tpu.core_type = #tpu.core_type<sc_vector_subcore>, window_params = [{transform_indices = #map}, {transform_indices = #map1}, {transform_indices = #map}]} {
    %mul3A = arith.constant 2 : i32
    %mul3A_0 = arith.muli %arg1, %mul3A : i32
    %add3A = arith.addi %mul3A_0, %arg0 : i32
    %mul3A_1 = arith.constant 8192 : i32
    %mul3A_2 = arith.muli %add3A, %mul3A_1 : i32
    %add3A_3 = arith.constant 0 : i32
    %add3A_4 = arith.addi %mul3A_2, %add3A_3 : i32
    %add3A_5 = arith.constant 0 : i32
    %add3A_6 = arith.addi %add3A_5, %add3A_4 : i32
    "tpu.region"() ({
      %run_scoped3A = tpu.sem_alloc : memref<!tpu.dma_semaphore, #tpu.memory_space<semaphore_mem>>
      %dma_start3A_72 = tpu.memref_slice %arg3[%add3A_6] : memref<1048576xi32, #tpu.memory_space<hbm>> -> memref<512xi32, #tpu.memory_space<hbm>>
      %dma_start3A_73 = tpu.memref_slice %arg3[%add3A_6] : memref<1048576xi32, #tpu.memory_space<hbm>> -> memref<512xi32, #tpu.memory_space<hbm>>
      tpu.enqueue_dma source(%dma_start3A_73 : memref<512xi32, #tpu.memory_space<hbm>>) target(%arg5 : memref<512xi32, #tpu.memory_space<vmem>>) target_semaphore(%run_scoped3A : memref<!tpu.dma_semaphore, #tpu.memory_space<semaphore_mem>>)
      %dma_wait3A_74 = tpu.memref_slice %arg3[%add3A_6] : memref<1048576xi32, #tpu.memory_space<hbm>> -> memref<512xi32, #tpu.memory_space<hbm>>
      %dma_wait3A_75 = tpu.memref_slice %arg3[%add3A_6] : memref<1048576xi32, #tpu.memory_space<hbm>> -> memref<512xi32, #tpu.memory_space<hbm>>
      tpu.wait_dma2 semaphore(%run_scoped3A : memref<!tpu.dma_semaphore, #tpu.memory_space<semaphore_mem>>) src(%dma_wait3A_75 : memref<512xi32, #tpu.memory_space<hbm>>) dst(%arg5 : memref<512xi32, #tpu.memory_space<vmem>>)
      tpu.yield
    }) : () -> ()
    %dma_start3A = arith.constant 0 : i32
    %dma_start3A_7 = arith.constant 0 : i32
    %dma_start3A_8 = tpu.memref_slice %arg2[%dma_start3A, %dma_start3A_7] : memref<65536x32xi32, #tpu.memory_space<hbm>> -> memref<65536x32xi32, #tpu.memory_space<hbm>>
    tpu.enqueue_indirect_dma source(%dma_start3A_8 : memref<65536x32xi32, #tpu.memory_space<hbm>>) target(%arg9 : memref<512x32xi32, #tpu.memory_space<vmem>>) offsets(%arg5 : memref<512xi32, #tpu.memory_space<vmem>>) semaphore(%arg13 : memref<!tpu.dma_semaphore, #tpu.memory_space<semaphore_mem>>)
    %dma_wait3A = arith.constant 0 : i32
    %dma_wait3A_9 = arith.constant 0 : i32
    %dma_wait3A_10 = tpu.memref_slice %arg2[%dma_wait3A, %dma_wait3A_9] : memref<65536x32xi32, #tpu.memory_space<hbm>> -> memref<65536x32xi32, #tpu.memory_space<hbm>>
    tpu.wait_indirect_dma semaphore(%arg13 : memref<!tpu.dma_semaphore, #tpu.memory_space<semaphore_mem>>) src(%dma_wait3A_10 : memref<65536x32xi32, #tpu.memory_space<hbm>>) dst(%arg9 : memref<512x32xi32, #tpu.memory_space<vmem>>)
    %dma_start3A_11 = arith.constant 0 : i32
    %dma_start3A_12 = tpu.memref_slice %arg4[%add3A_4, %dma_start3A_11] : memref<262144x128xi32, #tpu.memory_space<hbm>> -> memref<512x32xi32, #tpu.memory_space<hbm>>
    %dma_start3A_13 = arith.constant 0 : i32
    %dma_start3A_14 = tpu.memref_slice %arg4[%add3A_4, %dma_start3A_13] : memref<262144x128xi32, #tpu.memory_space<hbm>> -> memref<512x32xi32, #tpu.memory_space<hbm>>
    tpu.enqueue_dma source(%arg9 : memref<512x32xi32, #tpu.memory_space<vmem>>) target(%dma_start3A_14 : memref<512x32xi32, #tpu.memory_space<hbm>>) target_semaphore(%arg14 : memref<!tpu.dma_semaphore, #tpu.memory_space<semaphore_mem>>)
    %add3A_15 = arith.constant 262144 : i32
    %add3A_16 = arith.addi %add3A_15, %add3A_4 : i32
    "tpu.region"() ({
      %run_scoped3A = tpu.sem_alloc : memref<!tpu.dma_semaphore, #tpu.memory_space<semaphore_mem>>
      %dma_start3A_72 = tpu.memref_slice %arg3[%add3A_16] : memref<1048576xi32, #tpu.memory_space<hbm>> -> memref<512xi32, #tpu.memory_space<hbm>>
      %dma_start3A_73 = tpu.memref_slice %arg3[%add3A_16] : memref<1048576xi32, #tpu.memory_space<hbm>> -> memref<512xi32, #tpu.memory_space<hbm>>
      tpu.enqueue_dma source(%dma_start3A_73 : memref<512xi32, #tpu.memory_space<hbm>>) target(%arg6 : memref<512xi32, #tpu.memory_space<vmem>>) target_semaphore(%run_scoped3A : memref<!tpu.dma_semaphore, #tpu.memory_space<semaphore_mem>>)
      %dma_wait3A_74 = tpu.memref_slice %arg3[%add3A_16] : memref<1048576xi32, #tpu.memory_space<hbm>> -> memref<512xi32, #tpu.memory_space<hbm>>
      %dma_wait3A_75 = tpu.memref_slice %arg3[%add3A_16] : memref<1048576xi32, #tpu.memory_space<hbm>> -> memref<512xi32, #tpu.memory_space<hbm>>
      tpu.wait_dma2 semaphore(%run_scoped3A : memref<!tpu.dma_semaphore, #tpu.memory_space<semaphore_mem>>) src(%dma_wait3A_75 : memref<512xi32, #tpu.memory_space<hbm>>) dst(%arg6 : memref<512xi32, #tpu.memory_space<vmem>>)
      tpu.yield
    }) : () -> ()
    %dma_start3A_17 = arith.constant 0 : i32
    %dma_start3A_18 = arith.constant 0 : i32
    %dma_start3A_19 = tpu.memref_slice %arg2[%dma_start3A_17, %dma_start3A_18] : memref<65536x32xi32, #tpu.memory_space<hbm>> -> memref<65536x32xi32, #tpu.memory_space<hbm>>
    tpu.enqueue_indirect_dma source(%dma_start3A_19 : memref<65536x32xi32, #tpu.memory_space<hbm>>) target(%arg10 : memref<512x32xi32, #tpu.memory_space<vmem>>) offsets(%arg6 : memref<512xi32, #tpu.memory_space<vmem>>) semaphore(%arg13 : memref<!tpu.dma_semaphore, #tpu.memory_space<semaphore_mem>>)
    %dma_wait3A_20 = arith.constant 0 : i32
    %dma_wait3A_21 = arith.constant 0 : i32
    %dma_wait3A_22 = tpu.memref_slice %arg2[%dma_wait3A_20, %dma_wait3A_21] : memref<65536x32xi32, #tpu.memory_space<hbm>> -> memref<65536x32xi32, #tpu.memory_space<hbm>>
    tpu.wait_indirect_dma semaphore(%arg13 : memref<!tpu.dma_semaphore, #tpu.memory_space<semaphore_mem>>) src(%dma_wait3A_22 : memref<65536x32xi32, #tpu.memory_space<hbm>>) dst(%arg10 : memref<512x32xi32, #tpu.memory_space<vmem>>)
    %dma_start3A_23 = arith.constant 32 : i32
    %dma_start3A_24 = tpu.memref_slice %arg4[%add3A_4, %dma_start3A_23] : memref<262144x128xi32, #tpu.memory_space<hbm>> -> memref<512x32xi32, #tpu.memory_space<hbm>>
    %dma_start3A_25 = arith.constant 32 : i32
    %dma_start3A_26 = tpu.memref_slice %arg4[%add3A_4, %dma_start3A_25] : memref<262144x128xi32, #tpu.memory_space<hbm>> -> memref<512x32xi32, #tpu.memory_space<hbm>>
    tpu.enqueue_dma source(%arg10 : memref<512x32xi32, #tpu.memory_space<vmem>>) target(%dma_start3A_26 : memref<512x32xi32, #tpu.memory_space<hbm>>) target_semaphore(%arg15 : memref<!tpu.dma_semaphore, #tpu.memory_space<semaphore_mem>>)
    %add3A_27 = arith.constant 524288 : i32
    %add3A_28 = arith.addi %add3A_27, %add3A_4 : i32
    "tpu.region"() ({
      %run_scoped3A = tpu.sem_alloc : memref<!tpu.dma_semaphore, #tpu.memory_space<semaphore_mem>>
      %dma_start3A_72 = tpu.memref_slice %arg3[%add3A_28] : memref<1048576xi32, #tpu.memory_space<hbm>> -> memref<512xi32, #tpu.memory_space<hbm>>
      %dma_start3A_73 = tpu.memref_slice %arg3[%add3A_28] : memref<1048576xi32, #tpu.memory_space<hbm>> -> memref<512xi32, #tpu.memory_space<hbm>>
      tpu.enqueue_dma source(%dma_start3A_73 : memref<512xi32, #tpu.memory_space<hbm>>) target(%arg7 : memref<512xi32, #tpu.memory_space<vmem>>) target_semaphore(%run_scoped3A : memref<!tpu.dma_semaphore, #tpu.memory_space<semaphore_mem>>)
      %dma_wait3A_74 = tpu.memref_slice %arg3[%add3A_28] : memref<1048576xi32, #tpu.memory_space<hbm>> -> memref<512xi32, #tpu.memory_space<hbm>>
      %dma_wait3A_75 = tpu.memref_slice %arg3[%add3A_28] : memref<1048576xi32, #tpu.memory_space<hbm>> -> memref<512xi32, #tpu.memory_space<hbm>>
      tpu.wait_dma2 semaphore(%run_scoped3A : memref<!tpu.dma_semaphore, #tpu.memory_space<semaphore_mem>>) src(%dma_wait3A_75 : memref<512xi32, #tpu.memory_space<hbm>>) dst(%arg7 : memref<512xi32, #tpu.memory_space<vmem>>)
      tpu.yield
    }) : () -> ()
    %dma_start3A_29 = arith.constant 0 : i32
    %dma_start3A_30 = arith.constant 0 : i32
    %dma_start3A_31 = tpu.memref_slice %arg2[%dma_start3A_29, %dma_start3A_30] : memref<65536x32xi32, #tpu.memory_space<hbm>> -> memref<65536x32xi32, #tpu.memory_space<hbm>>
    tpu.enqueue_indirect_dma source(%dma_start3A_31 : memref<65536x32xi32, #tpu.memory_space<hbm>>) target(%arg11 : memref<512x32xi32, #tpu.memory_space<vmem>>) offsets(%arg7 : memref<512xi32, #tpu.memory_space<vmem>>) semaphore(%arg13 : memref<!tpu.dma_semaphore, #tpu.memory_space<semaphore_mem>>)
    %dma_wait3A_32 = arith.constant 0 : i32
    %dma_wait3A_33 = arith.constant 0 : i32
    %dma_wait3A_34 = tpu.memref_slice %arg2[%dma_wait3A_32, %dma_wait3A_33] : memref<65536x32xi32, #tpu.memory_space<hbm>> -> memref<65536x32xi32, #tpu.memory_space<hbm>>
    tpu.wait_indirect_dma semaphore(%arg13 : memref<!tpu.dma_semaphore, #tpu.memory_space<semaphore_mem>>) src(%dma_wait3A_34 : memref<65536x32xi32, #tpu.memory_space<hbm>>) dst(%arg11 : memref<512x32xi32, #tpu.memory_space<vmem>>)
    %dma_start3A_35 = arith.constant 64 : i32
    %dma_start3A_36 = tpu.memref_slice %arg4[%add3A_4, %dma_start3A_35] : memref<262144x128xi32, #tpu.memory_space<hbm>> -> memref<512x32xi32, #tpu.memory_space<hbm>>
    %dma_start3A_37 = arith.constant 64 : i32
    %dma_start3A_38 = tpu.memref_slice %arg4[%add3A_4, %dma_start3A_37] : memref<262144x128xi32, #tpu.memory_space<hbm>> -> memref<512x32xi32, #tpu.memory_space<hbm>>
    tpu.enqueue_dma source(%arg11 : memref<512x32xi32, #tpu.memory_space<vmem>>) target(%dma_start3A_38 : memref<512x32xi32, #tpu.memory_space<hbm>>) target_semaphore(%arg16 : memref<!tpu.dma_semaphore, #tpu.memory_space<semaphore_mem>>)
    %add3A_39 = arith.constant 786432 : i32
    %add3A_40 = arith.addi %add3A_39, %add3A_4 : i32
    "tpu.region"() ({
      %run_scoped3A = tpu.sem_alloc : memref<!tpu.dma_semaphore, #tpu.memory_space<semaphore_mem>>
      %dma_start3A_72 = tpu.memref_slice %arg3[%add3A_40] : memref<1048576xi32, #tpu.memory_space<hbm>> -> memref<512xi32, #tpu.memory_space<hbm>>
      %dma_start3A_73 = tpu.memref_slice %arg3[%add3A_40] : memref<1048576xi32, #tpu.memory_space<hbm>> -> memref<512xi32, #tpu.memory_space<hbm>>
      tpu.enqueue_dma source(%dma_start3A_73 : memref<512xi32, #tpu.memory_space<hbm>>) target(%arg8 : memref<512xi32, #tpu.memory_space<vmem>>) target_semaphore(%run_scoped3A : memref<!tpu.dma_semaphore, #tpu.memory_space<semaphore_mem>>)
      %dma_wait3A_74 = tpu.memref_slice %arg3[%add3A_40] : memref<1048576xi32, #tpu.memory_space<hbm>> -> memref<512xi32, #tpu.memory_space<hbm>>
      %dma_wait3A_75 = tpu.memref_slice %arg3[%add3A_40] : memref<1048576xi32, #tpu.memory_space<hbm>> -> memref<512xi32, #tpu.memory_space<hbm>>
      tpu.wait_dma2 semaphore(%run_scoped3A : memref<!tpu.dma_semaphore, #tpu.memory_space<semaphore_mem>>) src(%dma_wait3A_75 : memref<512xi32, #tpu.memory_space<hbm>>) dst(%arg8 : memref<512xi32, #tpu.memory_space<vmem>>)
      tpu.yield
    }) : () -> ()
    %dma_start3A_41 = arith.constant 0 : i32
    %dma_start3A_42 = arith.constant 0 : i32
    %dma_start3A_43 = tpu.memref_slice %arg2[%dma_start3A_41, %dma_start3A_42] : memref<65536x32xi32, #tpu.memory_space<hbm>> -> memref<65536x32xi32, #tpu.memory_space<hbm>>
    tpu.enqueue_indirect_dma source(%dma_start3A_43 : memref<65536x32xi32, #tpu.memory_space<hbm>>) target(%arg12 : memref<512x32xi32, #tpu.memory_space<vmem>>) offsets(%arg8 : memref<512xi32, #tpu.memory_space<vmem>>) semaphore(%arg13 : memref<!tpu.dma_semaphore, #tpu.memory_space<semaphore_mem>>)
    %dma_wait3A_44 = arith.constant 0 : i32
    %dma_wait3A_45 = arith.constant 0 : i32
    %dma_wait3A_46 = tpu.memref_slice %arg2[%dma_wait3A_44, %dma_wait3A_45] : memref<65536x32xi32, #tpu.memory_space<hbm>> -> memref<65536x32xi32, #tpu.memory_space<hbm>>
    tpu.wait_indirect_dma semaphore(%arg13 : memref<!tpu.dma_semaphore, #tpu.memory_space<semaphore_mem>>) src(%dma_wait3A_46 : memref<65536x32xi32, #tpu.memory_space<hbm>>) dst(%arg12 : memref<512x32xi32, #tpu.memory_space<vmem>>)
    %dma_start3A_47 = arith.constant 96 : i32
    %dma_start3A_48 = tpu.memref_slice %arg4[%add3A_4, %dma_start3A_47] : memref<262144x128xi32, #tpu.memory_space<hbm>> -> memref<512x32xi32, #tpu.memory_space<hbm>>
    %dma_start3A_49 = arith.constant 96 : i32
    %dma_start3A_50 = tpu.memref_slice %arg4[%add3A_4, %dma_start3A_49] : memref<262144x128xi32, #tpu.memory_space<hbm>> -> memref<512x32xi32, #tpu.memory_space<hbm>>
    tpu.enqueue_dma source(%arg12 : memref<512x32xi32, #tpu.memory_space<vmem>>) target(%dma_start3A_50 : memref<512x32xi32, #tpu.memory_space<hbm>>) target_semaphore(%arg17 : memref<!tpu.dma_semaphore, #tpu.memory_space<semaphore_mem>>)
    %scan3A = arith.constant 0 : i32
    %scan3A_51 = arith.constant 1 : i32
    %scan3A_52 = arith.constant 15 : i32
    %scan3A_53 = arith.addi %scan3A_51, %scan3A_52 : i32
    %scan3A_54 = arith.constant 1 : i32
    scf.for %scan3A_72 = %scan3A_51 to %scan3A_53 step %scan3A_54  : i32 {
      %mul3A_73 = arith.constant 512 : i32
      %mul3A_74 = arith.muli %scan3A_72, %mul3A_73 : i32
      %add3A_75 = arith.addi %mul3A_2, %mul3A_74 : i32
      %add3A_76 = arith.constant 0 : i32
      %add3A_77 = arith.addi %add3A_76, %add3A_75 : i32
      "tpu.region"() ({
        %run_scoped3A = tpu.sem_alloc : memref<!tpu.dma_semaphore, #tpu.memory_space<semaphore_mem>>
        %dma_start3A_140 = tpu.memref_slice %arg3[%add3A_77] : memref<1048576xi32, #tpu.memory_space<hbm>> -> memref<512xi32, #tpu.memory_space<hbm>>
        %dma_start3A_141 = tpu.memref_slice %arg3[%add3A_77] : memref<1048576xi32, #tpu.memory_space<hbm>> -> memref<512xi32, #tpu.memory_space<hbm>>
        tpu.enqueue_dma source(%dma_start3A_141 : memref<512xi32, #tpu.memory_space<hbm>>) target(%arg5 : memref<512xi32, #tpu.memory_space<vmem>>) target_semaphore(%run_scoped3A : memref<!tpu.dma_semaphore, #tpu.memory_space<semaphore_mem>>)
        %dma_wait3A_142 = tpu.memref_slice %arg3[%add3A_77] : memref<1048576xi32, #tpu.memory_space<hbm>> -> memref<512xi32, #tpu.memory_space<hbm>>
        %dma_wait3A_143 = tpu.memref_slice %arg3[%add3A_77] : memref<1048576xi32, #tpu.memory_space<hbm>> -> memref<512xi32, #tpu.memory_space<hbm>>
        tpu.wait_dma2 semaphore(%run_scoped3A : memref<!tpu.dma_semaphore, #tpu.memory_space<semaphore_mem>>) src(%dma_wait3A_143 : memref<512xi32, #tpu.memory_space<hbm>>) dst(%arg5 : memref<512xi32, #tpu.memory_space<vmem>>)
        tpu.yield
      }) : () -> ()
      %dma_wait3A_78 = arith.constant 0 : i32
      %dma_wait3A_79 = tpu.memref_slice %arg4[%add3A_75, %dma_wait3A_78] : memref<262144x128xi32, #tpu.memory_space<hbm>> -> memref<512x32xi32, #tpu.memory_space<hbm>>
      %dma_wait3A_80 = arith.constant 0 : i32
      %dma_wait3A_81 = tpu.memref_slice %arg4[%add3A_75, %dma_wait3A_80] : memref<262144x128xi32, #tpu.memory_space<hbm>> -> memref<512x32xi32, #tpu.memory_space<hbm>>
      tpu.wait_dma2 semaphore(%arg14 : memref<!tpu.dma_semaphore, #tpu.memory_space<semaphore_mem>>) src(%arg9 : memref<512x32xi32, #tpu.memory_space<vmem>>) dst(%dma_wait3A_81 : memref<512x32xi32, #tpu.memory_space<hbm>>)
      %dma_start3A_82 = arith.constant 0 : i32
      %dma_start3A_83 = arith.constant 0 : i32
      %dma_start3A_84 = tpu.memref_slice %arg2[%dma_start3A_82, %dma_start3A_83] : memref<65536x32xi32, #tpu.memory_space<hbm>> -> memref<65536x32xi32, #tpu.memory_space<hbm>>
      tpu.enqueue_indirect_dma source(%dma_start3A_84 : memref<65536x32xi32, #tpu.memory_space<hbm>>) target(%arg9 : memref<512x32xi32, #tpu.memory_space<vmem>>) offsets(%arg5 : memref<512xi32, #tpu.memory_space<vmem>>) semaphore(%arg13 : memref<!tpu.dma_semaphore, #tpu.memory_space<semaphore_mem>>)
      %dma_wait3A_85 = arith.constant 0 : i32
      %dma_wait3A_86 = arith.constant 0 : i32
      %dma_wait3A_87 = tpu.memref_slice %arg2[%dma_wait3A_85, %dma_wait3A_86] : memref<65536x32xi32, #tpu.memory_space<hbm>> -> memref<65536x32xi32, #tpu.memory_space<hbm>>
      tpu.wait_indirect_dma semaphore(%arg13 : memref<!tpu.dma_semaphore, #tpu.memory_space<semaphore_mem>>) src(%dma_wait3A_87 : memref<65536x32xi32, #tpu.memory_space<hbm>>) dst(%arg9 : memref<512x32xi32, #tpu.memory_space<vmem>>)
      %dma_start3A_88 = arith.constant 0 : i32
      %dma_start3A_89 = tpu.memref_slice %arg4[%add3A_75, %dma_start3A_88] : memref<262144x128xi32, #tpu.memory_space<hbm>> -> memref<512x32xi32, #tpu.memory_space<hbm>>
      %dma_start3A_90 = arith.constant 0 : i32
      %dma_start3A_91 = tpu.memref_slice %arg4[%add3A_75, %dma_start3A_90] : memref<262144x128xi32, #tpu.memory_space<hbm>> -> memref<512x32xi32, #tpu.memory_space<hbm>>
      tpu.enqueue_dma source(%arg9 : memref<512x32xi32, #tpu.memory_space<vmem>>) target(%dma_start3A_91 : memref<512x32xi32, #tpu.memory_space<hbm>>) target_semaphore(%arg14 : memref<!tpu.dma_semaphore, #tpu.memory_space<semaphore_mem>>)
      %add3A_92 = arith.constant 262144 : i32
      %add3A_93 = arith.addi %add3A_92, %add3A_75 : i32
      "tpu.region"() ({
        %run_scoped3A = tpu.sem_alloc : memref<!tpu.dma_semaphore, #tpu.memory_space<semaphore_mem>>
        %dma_start3A_140 = tpu.memref_slice %arg3[%add3A_93] : memref<1048576xi32, #tpu.memory_space<hbm>> -> memref<512xi32, #tpu.memory_space<hbm>>
        %dma_start3A_141 = tpu.memref_slice %arg3[%add3A_93] : memref<1048576xi32, #tpu.memory_space<hbm>> -> memref<512xi32, #tpu.memory_space<hbm>>
        tpu.enqueue_dma source(%dma_start3A_141 : memref<512xi32, #tpu.memory_space<hbm>>) target(%arg6 : memref<512xi32, #tpu.memory_space<vmem>>) target_semaphore(%run_scoped3A : memref<!tpu.dma_semaphore, #tpu.memory_space<semaphore_mem>>)
        %dma_wait3A_142 = tpu.memref_slice %arg3[%add3A_93] : memref<1048576xi32, #tpu.memory_space<hbm>> -> memref<512xi32, #tpu.memory_space<hbm>>
        %dma_wait3A_143 = tpu.memref_slice %arg3[%add3A_93] : memref<1048576xi32, #tpu.memory_space<hbm>> -> memref<512xi32, #tpu.memory_space<hbm>>
        tpu.wait_dma2 semaphore(%run_scoped3A : memref<!tpu.dma_semaphore, #tpu.memory_space<semaphore_mem>>) src(%dma_wait3A_143 : memref<512xi32, #tpu.memory_space<hbm>>) dst(%arg6 : memref<512xi32, #tpu.memory_space<vmem>>)
        tpu.yield
      }) : () -> ()
      %dma_wait3A_94 = arith.constant 32 : i32
      %dma_wait3A_95 = tpu.memref_slice %arg4[%add3A_75, %dma_wait3A_94] : memref<262144x128xi32, #tpu.memory_space<hbm>> -> memref<512x32xi32, #tpu.memory_space<hbm>>
      %dma_wait3A_96 = arith.constant 32 : i32
      %dma_wait3A_97 = tpu.memref_slice %arg4[%add3A_75, %dma_wait3A_96] : memref<262144x128xi32, #tpu.memory_space<hbm>> -> memref<512x32xi32, #tpu.memory_space<hbm>>
      tpu.wait_dma2 semaphore(%arg15 : memref<!tpu.dma_semaphore, #tpu.memory_space<semaphore_mem>>) src(%arg10 : memref<512x32xi32, #tpu.memory_space<vmem>>) dst(%dma_wait3A_97 : memref<512x32xi32, #tpu.memory_space<hbm>>)
      %dma_start3A_98 = arith.constant 0 : i32
      %dma_start3A_99 = arith.constant 0 : i32
      %dma_start3A_100 = tpu.memref_slice %arg2[%dma_start3A_98, %dma_start3A_99] : memref<65536x32xi32, #tpu.memory_space<hbm>> -> memref<65536x32xi32, #tpu.memory_space<hbm>>
      tpu.enqueue_indirect_dma source(%dma_start3A_100 : memref<65536x32xi32, #tpu.memory_space<hbm>>) target(%arg10 : memref<512x32xi32, #tpu.memory_space<vmem>>) offsets(%arg6 : memref<512xi32, #tpu.memory_space<vmem>>) semaphore(%arg13 : memref<!tpu.dma_semaphore, #tpu.memory_space<semaphore_mem>>)
      %dma_wait3A_101 = arith.constant 0 : i32
      %dma_wait3A_102 = arith.constant 0 : i32
      %dma_wait3A_103 = tpu.memref_slice %arg2[%dma_wait3A_101, %dma_wait3A_102] : memref<65536x32xi32, #tpu.memory_space<hbm>> -> memref<65536x32xi32, #tpu.memory_space<hbm>>
      tpu.wait_indirect_dma semaphore(%arg13 : memref<!tpu.dma_semaphore, #tpu.memory_space<semaphore_mem>>) src(%dma_wait3A_103 : memref<65536x32xi32, #tpu.memory_space<hbm>>) dst(%arg10 : memref<512x32xi32, #tpu.memory_space<vmem>>)
      %dma_start3A_104 = arith.constant 32 : i32
      %dma_start3A_105 = tpu.memref_slice %arg4[%add3A_75, %dma_start3A_104] : memref<262144x128xi32, #tpu.memory_space<hbm>> -> memref<512x32xi32, #tpu.memory_space<hbm>>
      %dma_start3A_106 = arith.constant 32 : i32
      %dma_start3A_107 = tpu.memref_slice %arg4[%add3A_75, %dma_start3A_106] : memref<262144x128xi32, #tpu.memory_space<hbm>> -> memref<512x32xi32, #tpu.memory_space<hbm>>
      tpu.enqueue_dma source(%arg10 : memref<512x32xi32, #tpu.memory_space<vmem>>) target(%dma_start3A_107 : memref<512x32xi32, #tpu.memory_space<hbm>>) target_semaphore(%arg15 : memref<!tpu.dma_semaphore, #tpu.memory_space<semaphore_mem>>)
      %add3A_108 = arith.constant 524288 : i32
      %add3A_109 = arith.addi %add3A_108, %add3A_75 : i32
      "tpu.region"() ({
        %run_scoped3A = tpu.sem_alloc : memref<!tpu.dma_semaphore, #tpu.memory_space<semaphore_mem>>
        %dma_start3A_140 = tpu.memref_slice %arg3[%add3A_109] : memref<1048576xi32, #tpu.memory_space<hbm>> -> memref<512xi32, #tpu.memory_space<hbm>>
        %dma_start3A_141 = tpu.memref_slice %arg3[%add3A_109] : memref<1048576xi32, #tpu.memory_space<hbm>> -> memref<512xi32, #tpu.memory_space<hbm>>
        tpu.enqueue_dma source(%dma_start3A_141 : memref<512xi32, #tpu.memory_space<hbm>>) target(%arg7 : memref<512xi32, #tpu.memory_space<vmem>>) target_semaphore(%run_scoped3A : memref<!tpu.dma_semaphore, #tpu.memory_space<semaphore_mem>>)
        %dma_wait3A_142 = tpu.memref_slice %arg3[%add3A_109] : memref<1048576xi32, #tpu.memory_space<hbm>> -> memref<512xi32, #tpu.memory_space<hbm>>
        %dma_wait3A_143 = tpu.memref_slice %arg3[%add3A_109] : memref<1048576xi32, #tpu.memory_space<hbm>> -> memref<512xi32, #tpu.memory_space<hbm>>
        tpu.wait_dma2 semaphore(%run_scoped3A : memref<!tpu.dma_semaphore, #tpu.memory_space<semaphore_mem>>) src(%dma_wait3A_143 : memref<512xi32, #tpu.memory_space<hbm>>) dst(%arg7 : memref<512xi32, #tpu.memory_space<vmem>>)
        tpu.yield
      }) : () -> ()
      %dma_wait3A_110 = arith.constant 64 : i32
      %dma_wait3A_111 = tpu.memref_slice %arg4[%add3A_75, %dma_wait3A_110] : memref<262144x128xi32, #tpu.memory_space<hbm>> -> memref<512x32xi32, #tpu.memory_space<hbm>>
      %dma_wait3A_112 = arith.constant 64 : i32
      %dma_wait3A_113 = tpu.memref_slice %arg4[%add3A_75, %dma_wait3A_112] : memref<262144x128xi32, #tpu.memory_space<hbm>> -> memref<512x32xi32, #tpu.memory_space<hbm>>
      tpu.wait_dma2 semaphore(%arg16 : memref<!tpu.dma_semaphore, #tpu.memory_space<semaphore_mem>>) src(%arg11 : memref<512x32xi32, #tpu.memory_space<vmem>>) dst(%dma_wait3A_113 : memref<512x32xi32, #tpu.memory_space<hbm>>)
      %dma_start3A_114 = arith.constant 0 : i32
      %dma_start3A_115 = arith.constant 0 : i32
      %dma_start3A_116 = tpu.memref_slice %arg2[%dma_start3A_114, %dma_start3A_115] : memref<65536x32xi32, #tpu.memory_space<hbm>> -> memref<65536x32xi32, #tpu.memory_space<hbm>>
      tpu.enqueue_indirect_dma source(%dma_start3A_116 : memref<65536x32xi32, #tpu.memory_space<hbm>>) target(%arg11 : memref<512x32xi32, #tpu.memory_space<vmem>>) offsets(%arg7 : memref<512xi32, #tpu.memory_space<vmem>>) semaphore(%arg13 : memref<!tpu.dma_semaphore, #tpu.memory_space<semaphore_mem>>)
      %dma_wait3A_117 = arith.constant 0 : i32
      %dma_wait3A_118 = arith.constant 0 : i32
      %dma_wait3A_119 = tpu.memref_slice %arg2[%dma_wait3A_117, %dma_wait3A_118] : memref<65536x32xi32, #tpu.memory_space<hbm>> -> memref<65536x32xi32, #tpu.memory_space<hbm>>
      tpu.wait_indirect_dma semaphore(%arg13 : memref<!tpu.dma_semaphore, #tpu.memory_space<semaphore_mem>>) src(%dma_wait3A_119 : memref<65536x32xi32, #tpu.memory_space<hbm>>) dst(%arg11 : memref<512x32xi32, #tpu.memory_space<vmem>>)
      %dma_start3A_120 = arith.constant 64 : i32
      %dma_start3A_121 = tpu.memref_slice %arg4[%add3A_75, %dma_start3A_120] : memref<262144x128xi32, #tpu.memory_space<hbm>> -> memref<512x32xi32, #tpu.memory_space<hbm>>
      %dma_start3A_122 = arith.constant 64 : i32
      %dma_start3A_123 = tpu.memref_slice %arg4[%add3A_75, %dma_start3A_122] : memref<262144x128xi32, #tpu.memory_space<hbm>> -> memref<512x32xi32, #tpu.memory_space<hbm>>
      tpu.enqueue_dma source(%arg11 : memref<512x32xi32, #tpu.memory_space<vmem>>) target(%dma_start3A_123 : memref<512x32xi32, #tpu.memory_space<hbm>>) target_semaphore(%arg16 : memref<!tpu.dma_semaphore, #tpu.memory_space<semaphore_mem>>)
      %add3A_124 = arith.constant 786432 : i32
      %add3A_125 = arith.addi %add3A_124, %add3A_75 : i32
      "tpu.region"() ({
        %run_scoped3A = tpu.sem_alloc : memref<!tpu.dma_semaphore, #tpu.memory_space<semaphore_mem>>
        %dma_start3A_140 = tpu.memref_slice %arg3[%add3A_125] : memref<1048576xi32, #tpu.memory_space<hbm>> -> memref<512xi32, #tpu.memory_space<hbm>>
        %dma_start3A_141 = tpu.memref_slice %arg3[%add3A_125] : memref<1048576xi32, #tpu.memory_space<hbm>> -> memref<512xi32, #tpu.memory_space<hbm>>
        tpu.enqueue_dma source(%dma_start3A_141 : memref<512xi32, #tpu.memory_space<hbm>>) target(%arg8 : memref<512xi32, #tpu.memory_space<vmem>>) target_semaphore(%run_scoped3A : memref<!tpu.dma_semaphore, #tpu.memory_space<semaphore_mem>>)
        %dma_wait3A_142 = tpu.memref_slice %arg3[%add3A_125] : memref<1048576xi32, #tpu.memory_space<hbm>> -> memref<512xi32, #tpu.memory_space<hbm>>
        %dma_wait3A_143 = tpu.memref_slice %arg3[%add3A_125] : memref<1048576xi32, #tpu.memory_space<hbm>> -> memref<512xi32, #tpu.memory_space<hbm>>
        tpu.wait_dma2 semaphore(%run_scoped3A : memref<!tpu.dma_semaphore, #tpu.memory_space<semaphore_mem>>) src(%dma_wait3A_143 : memref<512xi32, #tpu.memory_space<hbm>>) dst(%arg8 : memref<512xi32, #tpu.memory_space<vmem>>)
        tpu.yield
      }) : () -> ()
      %dma_wait3A_126 = arith.constant 96 : i32
      %dma_wait3A_127 = tpu.memref_slice %arg4[%add3A_75, %dma_wait3A_126] : memref<262144x128xi32, #tpu.memory_space<hbm>> -> memref<512x32xi32, #tpu.memory_space<hbm>>
      %dma_wait3A_128 = arith.constant 96 : i32
      %dma_wait3A_129 = tpu.memref_slice %arg4[%add3A_75, %dma_wait3A_128] : memref<262144x128xi32, #tpu.memory_space<hbm>> -> memref<512x32xi32, #tpu.memory_space<hbm>>
      tpu.wait_dma2 semaphore(%arg17 : memref<!tpu.dma_semaphore, #tpu.memory_space<semaphore_mem>>) src(%arg12 : memref<512x32xi32, #tpu.memory_space<vmem>>) dst(%dma_wait3A_129 : memref<512x32xi32, #tpu.memory_space<hbm>>)
      %dma_start3A_130 = arith.constant 0 : i32
      %dma_start3A_131 = arith.constant 0 : i32
      %dma_start3A_132 = tpu.memref_slice %arg2[%dma_start3A_130, %dma_start3A_131] : memref<65536x32xi32, #tpu.memory_space<hbm>> -> memref<65536x32xi32, #tpu.memory_space<hbm>>
      tpu.enqueue_indirect_dma source(%dma_start3A_132 : memref<65536x32xi32, #tpu.memory_space<hbm>>) target(%arg12 : memref<512x32xi32, #tpu.memory_space<vmem>>) offsets(%arg8 : memref<512xi32, #tpu.memory_space<vmem>>) semaphore(%arg13 : memref<!tpu.dma_semaphore, #tpu.memory_space<semaphore_mem>>)
      %dma_wait3A_133 = arith.constant 0 : i32
      %dma_wait3A_134 = arith.constant 0 : i32
      %dma_wait3A_135 = tpu.memref_slice %arg2[%dma_wait3A_133, %dma_wait3A_134] : memref<65536x32xi32, #tpu.memory_space<hbm>> -> memref<65536x32xi32, #tpu.memory_space<hbm>>
      tpu.wait_indirect_dma semaphore(%arg13 : memref<!tpu.dma_semaphore, #tpu.memory_space<semaphore_mem>>) src(%dma_wait3A_135 : memref<65536x32xi32, #tpu.memory_space<hbm>>) dst(%arg12 : memref<512x32xi32, #tpu.memory_space<vmem>>)
      %dma_start3A_136 = arith.constant 96 : i32
      %dma_start3A_137 = tpu.memref_slice %arg4[%add3A_75, %dma_start3A_136] : memref<262144x128xi32, #tpu.memory_space<hbm>> -> memref<512x32xi32, #tpu.memory_space<hbm>>
      %dma_start3A_138 = arith.constant 96 : i32
      %dma_start3A_139 = tpu.memref_slice %arg4[%add3A_75, %dma_start3A_138] : memref<262144x128xi32, #tpu.memory_space<hbm>> -> memref<512x32xi32, #tpu.memory_space<hbm>>
      tpu.enqueue_dma source(%arg12 : memref<512x32xi32, #tpu.memory_space<vmem>>) target(%dma_start3A_139 : memref<512x32xi32, #tpu.memory_space<hbm>>) target_semaphore(%arg17 : memref<!tpu.dma_semaphore, #tpu.memory_space<semaphore_mem>>)
    }
    %scan3A_55 = arith.constant 15 : i32
    %dma_wait3A_56 = arith.constant 0 : i32
    %dma_wait3A_57 = tpu.memref_slice %arg4[%mul3A_2, %dma_wait3A_56] : memref<262144x128xi32, #tpu.memory_space<hbm>> -> memref<512x32xi32, #tpu.memory_space<hbm>>
    %dma_wait3A_58 = arith.constant 0 : i32
    %dma_wait3A_59 = tpu.memref_slice %arg4[%mul3A_2, %dma_wait3A_58] : memref<262144x128xi32, #tpu.memory_space<hbm>> -> memref<512x32xi32, #tpu.memory_space<hbm>>
    tpu.wait_dma2 semaphore(%arg14 : memref<!tpu.dma_semaphore, #tpu.memory_space<semaphore_mem>>) src(%arg9 : memref<512x32xi32, #tpu.memory_space<vmem>>) dst(%dma_wait3A_59 : memref<512x32xi32, #tpu.memory_space<hbm>>)
    %dma_wait3A_60 = arith.constant 32 : i32
    %dma_wait3A_61 = tpu.memref_slice %arg4[%mul3A_2, %dma_wait3A_60] : memref<262144x128xi32, #tpu.memory_space<hbm>> -> memref<512x32xi32, #tpu.memory_space<hbm>>
    %dma_wait3A_62 = arith.constant 32 : i32
    %dma_wait3A_63 = tpu.memref_slice %arg4[%mul3A_2, %dma_wait3A_62] : memref<262144x128xi32, #tpu.memory_space<hbm>> -> memref<512x32xi32, #tpu.memory_space<hbm>>
    tpu.wait_dma2 semaphore(%arg15 : memref<!tpu.dma_semaphore, #tpu.memory_space<semaphore_mem>>) src(%arg10 : memref<512x32xi32, #tpu.memory_space<vmem>>) dst(%dma_wait3A_63 : memref<512x32xi32, #tpu.memory_space<hbm>>)
    %dma_wait3A_64 = arith.constant 64 : i32
    %dma_wait3A_65 = tpu.memref_slice %arg4[%mul3A_2, %dma_wait3A_64] : memref<262144x128xi32, #tpu.memory_space<hbm>> -> memref<512x32xi32, #tpu.memory_space<hbm>>
    %dma_wait3A_66 = arith.constant 64 : i32
    %dma_wait3A_67 = tpu.memref_slice %arg4[%mul3A_2, %dma_wait3A_66] : memref<262144x128xi32, #tpu.memory_space<hbm>> -> memref<512x32xi32, #tpu.memory_space<hbm>>
    tpu.wait_dma2 semaphore(%arg16 : memref<!tpu.dma_semaphore, #tpu.memory_space<semaphore_mem>>) src(%arg11 : memref<512x32xi32, #tpu.memory_space<vmem>>) dst(%dma_wait3A_67 : memref<512x32xi32, #tpu.memory_space<hbm>>)
    %dma_wait3A_68 = arith.constant 96 : i32
    %dma_wait3A_69 = tpu.memref_slice %arg4[%mul3A_2, %dma_wait3A_68] : memref<262144x128xi32, #tpu.memory_space<hbm>> -> memref<512x32xi32, #tpu.memory_space<hbm>>
    %dma_wait3A_70 = arith.constant 96 : i32
    %dma_wait3A_71 = tpu.memref_slice %arg4[%mul3A_2, %dma_wait3A_70] : memref<262144x128xi32, #tpu.memory_space<hbm>> -> memref<512x32xi32, #tpu.memory_space<hbm>>
    tpu.wait_dma2 semaphore(%arg17 : memref<!tpu.dma_semaphore, #tpu.memory_space<semaphore_mem>>) src(%arg12 : memref<512x32xi32, #tpu.memory_space<vmem>>) dst(%dma_wait3A_71 : memref<512x32xi32, #tpu.memory_space<hbm>>)
    return
  }
}

#map = affine_map<(d0, d1) -> (0, 0)>
#map1 = affine_map<(d0, d1) -> (0)>
module attributes {stable_mosaic.version = 14 : i64} {
  func.func @gather(%arg0: i32, %arg1: i32, %arg2: memref<65536x32xi32, #tpu.memory_space<hbm>>, %arg3: memref<524288xi32, #tpu.memory_space<hbm>>, %arg4: memref<131072x128xi32, #tpu.memory_space<hbm>>, %arg5: memref<512xi32, #tpu.memory_space<vmem>>, %arg6: memref<512xi32, #tpu.memory_space<vmem>>, %arg7: memref<512xi32, #tpu.memory_space<vmem>>, %arg8: memref<512xi32, #tpu.memory_space<vmem>>, %arg9: memref<512x32xi32, #tpu.memory_space<vmem>>, %arg10: memref<512x32xi32, #tpu.memory_space<vmem>>, %arg11: memref<512x32xi32, #tpu.memory_space<vmem>>, %arg12: memref<512x32xi32, #tpu.memory_space<vmem>>, %arg13: memref<!tpu.dma_semaphore, #tpu.memory_space<semaphore_mem>>, %arg14: memref<!tpu.dma_semaphore, #tpu.memory_space<semaphore_mem>>, %arg15: memref<!tpu.dma_semaphore, #tpu.memory_space<semaphore_mem>>, %arg16: memref<!tpu.dma_semaphore, #tpu.memory_space<semaphore_mem>>, %arg17: memref<!tpu.dma_semaphore, #tpu.memory_space<semaphore_mem>>) attributes {dimension_semantics = [#tpu.dimension_semantics<core_parallel>, #tpu.dimension_semantics<subcore_parallel>], iteration_bounds = array<i64: 2, 16>, scalar_prefetch = 0 : i64, scratch_operands = 13 : i64, tpu.core_type = #tpu.core_type<sc_vector_subcore>, window_params = [{transform_indices = #map}, {transform_indices = #map1}, {transform_indices = #map}]} {
    %mul3A = arith.constant 2 : i32
    %mul3A_0 = arith.muli %arg1, %mul3A : i32
    %add3A = arith.addi %mul3A_0, %arg0 : i32
    %mul3A_1 = arith.constant 4096 : i32
    %mul3A_2 = arith.muli %add3A, %mul3A_1 : i32
    %add3A_3 = arith.constant 0 : i32
    %add3A_4 = arith.addi %mul3A_2, %add3A_3 : i32
    %add3A_5 = arith.constant 0 : i32
    %add3A_6 = arith.addi %add3A_5, %add3A_4 : i32
    "tpu.region"() ({
      %run_scoped3A = tpu.sem_alloc : memref<!tpu.dma_semaphore, #tpu.memory_space<semaphore_mem>>
      %dma_start3A_72 = tpu.memref_slice %arg3[%add3A_6] : memref<524288xi32, #tpu.memory_space<hbm>> -> memref<512xi32, #tpu.memory_space<hbm>>
      %dma_start3A_73 = tpu.memref_slice %arg3[%add3A_6] : memref<524288xi32, #tpu.memory_space<hbm>> -> memref<512xi32, #tpu.memory_space<hbm>>
      tpu.enqueue_dma source(%dma_start3A_73 : memref<512xi32, #tpu.memory_space<hbm>>) target(%arg5 : memref<512xi32, #tpu.memory_space<vmem>>) target_semaphore(%run_scoped3A : memref<!tpu.dma_semaphore, #tpu.memory_space<semaphore_mem>>)
      %dma_wait3A_74 = tpu.memref_slice %arg3[%add3A_6] : memref<524288xi32, #tpu.memory_space<hbm>> -> memref<512xi32, #tpu.memory_space<hbm>>
      %dma_wait3A_75 = tpu.memref_slice %arg3[%add3A_6] : memref<524288xi32, #tpu.memory_space<hbm>> -> memref<512xi32, #tpu.memory_space<hbm>>
      tpu.wait_dma2 semaphore(%run_scoped3A : memref<!tpu.dma_semaphore, #tpu.memory_space<semaphore_mem>>) src(%dma_wait3A_75 : memref<512xi32, #tpu.memory_space<hbm>>) dst(%arg5 : memref<512xi32, #tpu.memory_space<vmem>>)
      tpu.yield
    }) : () -> ()
    %dma_start3A = arith.constant 0 : i32
    %dma_start3A_7 = arith.constant 0 : i32
    %dma_start3A_8 = tpu.memref_slice %arg2[%dma_start3A, %dma_start3A_7] : memref<65536x32xi32, #tpu.memory_space<hbm>> -> memref<65536x32xi32, #tpu.memory_space<hbm>>
    tpu.enqueue_indirect_dma source(%dma_start3A_8 : memref<65536x32xi32, #tpu.memory_space<hbm>>) target(%arg9 : memref<512x32xi32, #tpu.memory_space<vmem>>) offsets(%arg5 : memref<512xi32, #tpu.memory_space<vmem>>) semaphore(%arg13 : memref<!tpu.dma_semaphore, #tpu.memory_space<semaphore_mem>>)
    %dma_wait3A = arith.constant 0 : i32
    %dma_wait3A_9 = arith.constant 0 : i32
    %dma_wait3A_10 = tpu.memref_slice %arg2[%dma_wait3A, %dma_wait3A_9] : memref<65536x32xi32, #tpu.memory_space<hbm>> -> memref<65536x32xi32, #tpu.memory_space<hbm>>
    tpu.wait_indirect_dma semaphore(%arg13 : memref<!tpu.dma_semaphore, #tpu.memory_space<semaphore_mem>>) src(%dma_wait3A_10 : memref<65536x32xi32, #tpu.memory_space<hbm>>) dst(%arg9 : memref<512x32xi32, #tpu.memory_space<vmem>>)
    %dma_start3A_11 = arith.constant 0 : i32
    %dma_start3A_12 = tpu.memref_slice %arg4[%add3A_4, %dma_start3A_11] : memref<131072x128xi32, #tpu.memory_space<hbm>> -> memref<512x32xi32, #tpu.memory_space<hbm>>
    %dma_start3A_13 = arith.constant 0 : i32
    %dma_start3A_14 = tpu.memref_slice %arg4[%add3A_4, %dma_start3A_13] : memref<131072x128xi32, #tpu.memory_space<hbm>> -> memref<512x32xi32, #tpu.memory_space<hbm>>
    tpu.enqueue_dma source(%arg9 : memref<512x32xi32, #tpu.memory_space<vmem>>) target(%dma_start3A_14 : memref<512x32xi32, #tpu.memory_space<hbm>>) target_semaphore(%arg14 : memref<!tpu.dma_semaphore, #tpu.memory_space<semaphore_mem>>)
    %add3A_15 = arith.constant 131072 : i32
    %add3A_16 = arith.addi %add3A_15, %add3A_4 : i32
    "tpu.region"() ({
      %run_scoped3A = tpu.sem_alloc : memref<!tpu.dma_semaphore, #tpu.memory_space<semaphore_mem>>
      %dma_start3A_72 = tpu.memref_slice %arg3[%add3A_16] : memref<524288xi32, #tpu.memory_space<hbm>> -> memref<512xi32, #tpu.memory_space<hbm>>
      %dma_start3A_73 = tpu.memref_slice %arg3[%add3A_16] : memref<524288xi32, #tpu.memory_space<hbm>> -> memref<512xi32, #tpu.memory_space<hbm>>
      tpu.enqueue_dma source(%dma_start3A_73 : memref<512xi32, #tpu.memory_space<hbm>>) target(%arg6 : memref<512xi32, #tpu.memory_space<vmem>>) target_semaphore(%run_scoped3A : memref<!tpu.dma_semaphore, #tpu.memory_space<semaphore_mem>>)
      %dma_wait3A_74 = tpu.memref_slice %arg3[%add3A_16] : memref<524288xi32, #tpu.memory_space<hbm>> -> memref<512xi32, #tpu.memory_space<hbm>>
      %dma_wait3A_75 = tpu.memref_slice %arg3[%add3A_16] : memref<524288xi32, #tpu.memory_space<hbm>> -> memref<512xi32, #tpu.memory_space<hbm>>
      tpu.wait_dma2 semaphore(%run_scoped3A : memref<!tpu.dma_semaphore, #tpu.memory_space<semaphore_mem>>) src(%dma_wait3A_75 : memref<512xi32, #tpu.memory_space<hbm>>) dst(%arg6 : memref<512xi32, #tpu.memory_space<vmem>>)
      tpu.yield
    }) : () -> ()
    %dma_start3A_17 = arith.constant 0 : i32
    %dma_start3A_18 = arith.constant 0 : i32
    %dma_start3A_19 = tpu.memref_slice %arg2[%dma_start3A_17, %dma_start3A_18] : memref<65536x32xi32, #tpu.memory_space<hbm>> -> memref<65536x32xi32, #tpu.memory_space<hbm>>
    tpu.enqueue_indirect_dma source(%dma_start3A_19 : memref<65536x32xi32, #tpu.memory_space<hbm>>) target(%arg10 : memref<512x32xi32, #tpu.memory_space<vmem>>) offsets(%arg6 : memref<512xi32, #tpu.memory_space<vmem>>) semaphore(%arg13 : memref<!tpu.dma_semaphore, #tpu.memory_space<semaphore_mem>>)
    %dma_wait3A_20 = arith.constant 0 : i32
    %dma_wait3A_21 = arith.constant 0 : i32
    %dma_wait3A_22 = tpu.memref_slice %arg2[%dma_wait3A_20, %dma_wait3A_21] : memref<65536x32xi32, #tpu.memory_space<hbm>> -> memref<65536x32xi32, #tpu.memory_space<hbm>>
    tpu.wait_indirect_dma semaphore(%arg13 : memref<!tpu.dma_semaphore, #tpu.memory_space<semaphore_mem>>) src(%dma_wait3A_22 : memref<65536x32xi32, #tpu.memory_space<hbm>>) dst(%arg10 : memref<512x32xi32, #tpu.memory_space<vmem>>)
    %dma_start3A_23 = arith.constant 32 : i32
    %dma_start3A_24 = tpu.memref_slice %arg4[%add3A_4, %dma_start3A_23] : memref<131072x128xi32, #tpu.memory_space<hbm>> -> memref<512x32xi32, #tpu.memory_space<hbm>>
    %dma_start3A_25 = arith.constant 32 : i32
    %dma_start3A_26 = tpu.memref_slice %arg4[%add3A_4, %dma_start3A_25] : memref<131072x128xi32, #tpu.memory_space<hbm>> -> memref<512x32xi32, #tpu.memory_space<hbm>>
    tpu.enqueue_dma source(%arg10 : memref<512x32xi32, #tpu.memory_space<vmem>>) target(%dma_start3A_26 : memref<512x32xi32, #tpu.memory_space<hbm>>) target_semaphore(%arg15 : memref<!tpu.dma_semaphore, #tpu.memory_space<semaphore_mem>>)
    %add3A_27 = arith.constant 262144 : i32
    %add3A_28 = arith.addi %add3A_27, %add3A_4 : i32
    "tpu.region"() ({
      %run_scoped3A = tpu.sem_alloc : memref<!tpu.dma_semaphore, #tpu.memory_space<semaphore_mem>>
      %dma_start3A_72 = tpu.memref_slice %arg3[%add3A_28] : memref<524288xi32, #tpu.memory_space<hbm>> -> memref<512xi32, #tpu.memory_space<hbm>>
      %dma_start3A_73 = tpu.memref_slice %arg3[%add3A_28] : memref<524288xi32, #tpu.memory_space<hbm>> -> memref<512xi32, #tpu.memory_space<hbm>>
      tpu.enqueue_dma source(%dma_start3A_73 : memref<512xi32, #tpu.memory_space<hbm>>) target(%arg7 : memref<512xi32, #tpu.memory_space<vmem>>) target_semaphore(%run_scoped3A : memref<!tpu.dma_semaphore, #tpu.memory_space<semaphore_mem>>)
      %dma_wait3A_74 = tpu.memref_slice %arg3[%add3A_28] : memref<524288xi32, #tpu.memory_space<hbm>> -> memref<512xi32, #tpu.memory_space<hbm>>
      %dma_wait3A_75 = tpu.memref_slice %arg3[%add3A_28] : memref<524288xi32, #tpu.memory_space<hbm>> -> memref<512xi32, #tpu.memory_space<hbm>>
      tpu.wait_dma2 semaphore(%run_scoped3A : memref<!tpu.dma_semaphore, #tpu.memory_space<semaphore_mem>>) src(%dma_wait3A_75 : memref<512xi32, #tpu.memory_space<hbm>>) dst(%arg7 : memref<512xi32, #tpu.memory_space<vmem>>)
      tpu.yield
    }) : () -> ()
    %dma_start3A_29 = arith.constant 0 : i32
    %dma_start3A_30 = arith.constant 0 : i32
    %dma_start3A_31 = tpu.memref_slice %arg2[%dma_start3A_29, %dma_start3A_30] : memref<65536x32xi32, #tpu.memory_space<hbm>> -> memref<65536x32xi32, #tpu.memory_space<hbm>>
    tpu.enqueue_indirect_dma source(%dma_start3A_31 : memref<65536x32xi32, #tpu.memory_space<hbm>>) target(%arg11 : memref<512x32xi32, #tpu.memory_space<vmem>>) offsets(%arg7 : memref<512xi32, #tpu.memory_space<vmem>>) semaphore(%arg13 : memref<!tpu.dma_semaphore, #tpu.memory_space<semaphore_mem>>)
    %dma_wait3A_32 = arith.constant 0 : i32
    %dma_wait3A_33 = arith.constant 0 : i32
    %dma_wait3A_34 = tpu.memref_slice %arg2[%dma_wait3A_32, %dma_wait3A_33] : memref<65536x32xi32, #tpu.memory_space<hbm>> -> memref<65536x32xi32, #tpu.memory_space<hbm>>
    tpu.wait_indirect_dma semaphore(%arg13 : memref<!tpu.dma_semaphore, #tpu.memory_space<semaphore_mem>>) src(%dma_wait3A_34 : memref<65536x32xi32, #tpu.memory_space<hbm>>) dst(%arg11 : memref<512x32xi32, #tpu.memory_space<vmem>>)
    %dma_start3A_35 = arith.constant 64 : i32
    %dma_start3A_36 = tpu.memref_slice %arg4[%add3A_4, %dma_start3A_35] : memref<131072x128xi32, #tpu.memory_space<hbm>> -> memref<512x32xi32, #tpu.memory_space<hbm>>
    %dma_start3A_37 = arith.constant 64 : i32
    %dma_start3A_38 = tpu.memref_slice %arg4[%add3A_4, %dma_start3A_37] : memref<131072x128xi32, #tpu.memory_space<hbm>> -> memref<512x32xi32, #tpu.memory_space<hbm>>
    tpu.enqueue_dma source(%arg11 : memref<512x32xi32, #tpu.memory_space<vmem>>) target(%dma_start3A_38 : memref<512x32xi32, #tpu.memory_space<hbm>>) target_semaphore(%arg16 : memref<!tpu.dma_semaphore, #tpu.memory_space<semaphore_mem>>)
    %add3A_39 = arith.constant 393216 : i32
    %add3A_40 = arith.addi %add3A_39, %add3A_4 : i32
    "tpu.region"() ({
      %run_scoped3A = tpu.sem_alloc : memref<!tpu.dma_semaphore, #tpu.memory_space<semaphore_mem>>
      %dma_start3A_72 = tpu.memref_slice %arg3[%add3A_40] : memref<524288xi32, #tpu.memory_space<hbm>> -> memref<512xi32, #tpu.memory_space<hbm>>
      %dma_start3A_73 = tpu.memref_slice %arg3[%add3A_40] : memref<524288xi32, #tpu.memory_space<hbm>> -> memref<512xi32, #tpu.memory_space<hbm>>
      tpu.enqueue_dma source(%dma_start3A_73 : memref<512xi32, #tpu.memory_space<hbm>>) target(%arg8 : memref<512xi32, #tpu.memory_space<vmem>>) target_semaphore(%run_scoped3A : memref<!tpu.dma_semaphore, #tpu.memory_space<semaphore_mem>>)
      %dma_wait3A_74 = tpu.memref_slice %arg3[%add3A_40] : memref<524288xi32, #tpu.memory_space<hbm>> -> memref<512xi32, #tpu.memory_space<hbm>>
      %dma_wait3A_75 = tpu.memref_slice %arg3[%add3A_40] : memref<524288xi32, #tpu.memory_space<hbm>> -> memref<512xi32, #tpu.memory_space<hbm>>
      tpu.wait_dma2 semaphore(%run_scoped3A : memref<!tpu.dma_semaphore, #tpu.memory_space<semaphore_mem>>) src(%dma_wait3A_75 : memref<512xi32, #tpu.memory_space<hbm>>) dst(%arg8 : memref<512xi32, #tpu.memory_space<vmem>>)
      tpu.yield
    }) : () -> ()
    %dma_start3A_41 = arith.constant 0 : i32
    %dma_start3A_42 = arith.constant 0 : i32
    %dma_start3A_43 = tpu.memref_slice %arg2[%dma_start3A_41, %dma_start3A_42] : memref<65536x32xi32, #tpu.memory_space<hbm>> -> memref<65536x32xi32, #tpu.memory_space<hbm>>
    tpu.enqueue_indirect_dma source(%dma_start3A_43 : memref<65536x32xi32, #tpu.memory_space<hbm>>) target(%arg12 : memref<512x32xi32, #tpu.memory_space<vmem>>) offsets(%arg8 : memref<512xi32, #tpu.memory_space<vmem>>) semaphore(%arg13 : memref<!tpu.dma_semaphore, #tpu.memory_space<semaphore_mem>>)
    %dma_wait3A_44 = arith.constant 0 : i32
    %dma_wait3A_45 = arith.constant 0 : i32
    %dma_wait3A_46 = tpu.memref_slice %arg2[%dma_wait3A_44, %dma_wait3A_45] : memref<65536x32xi32, #tpu.memory_space<hbm>> -> memref<65536x32xi32, #tpu.memory_space<hbm>>
    tpu.wait_indirect_dma semaphore(%arg13 : memref<!tpu.dma_semaphore, #tpu.memory_space<semaphore_mem>>) src(%dma_wait3A_46 : memref<65536x32xi32, #tpu.memory_space<hbm>>) dst(%arg12 : memref<512x32xi32, #tpu.memory_space<vmem>>)
    %dma_start3A_47 = arith.constant 96 : i32
    %dma_start3A_48 = tpu.memref_slice %arg4[%add3A_4, %dma_start3A_47] : memref<131072x128xi32, #tpu.memory_space<hbm>> -> memref<512x32xi32, #tpu.memory_space<hbm>>
    %dma_start3A_49 = arith.constant 96 : i32
    %dma_start3A_50 = tpu.memref_slice %arg4[%add3A_4, %dma_start3A_49] : memref<131072x128xi32, #tpu.memory_space<hbm>> -> memref<512x32xi32, #tpu.memory_space<hbm>>
    tpu.enqueue_dma source(%arg12 : memref<512x32xi32, #tpu.memory_space<vmem>>) target(%dma_start3A_50 : memref<512x32xi32, #tpu.memory_space<hbm>>) target_semaphore(%arg17 : memref<!tpu.dma_semaphore, #tpu.memory_space<semaphore_mem>>)
    %scan3A = arith.constant 0 : i32
    %scan3A_51 = arith.constant 1 : i32
    %scan3A_52 = arith.constant 7 : i32
    %scan3A_53 = arith.addi %scan3A_51, %scan3A_52 : i32
    %scan3A_54 = arith.constant 1 : i32
    scf.for %scan3A_72 = %scan3A_51 to %scan3A_53 step %scan3A_54  : i32 {
      %mul3A_73 = arith.constant 512 : i32
      %mul3A_74 = arith.muli %scan3A_72, %mul3A_73 : i32
      %add3A_75 = arith.addi %mul3A_2, %mul3A_74 : i32
      %add3A_76 = arith.constant 0 : i32
      %add3A_77 = arith.addi %add3A_76, %add3A_75 : i32
      "tpu.region"() ({
        %run_scoped3A = tpu.sem_alloc : memref<!tpu.dma_semaphore, #tpu.memory_space<semaphore_mem>>
        %dma_start3A_140 = tpu.memref_slice %arg3[%add3A_77] : memref<524288xi32, #tpu.memory_space<hbm>> -> memref<512xi32, #tpu.memory_space<hbm>>
        %dma_start3A_141 = tpu.memref_slice %arg3[%add3A_77] : memref<524288xi32, #tpu.memory_space<hbm>> -> memref<512xi32, #tpu.memory_space<hbm>>
        tpu.enqueue_dma source(%dma_start3A_141 : memref<512xi32, #tpu.memory_space<hbm>>) target(%arg5 : memref<512xi32, #tpu.memory_space<vmem>>) target_semaphore(%run_scoped3A : memref<!tpu.dma_semaphore, #tpu.memory_space<semaphore_mem>>)
        %dma_wait3A_142 = tpu.memref_slice %arg3[%add3A_77] : memref<524288xi32, #tpu.memory_space<hbm>> -> memref<512xi32, #tpu.memory_space<hbm>>
        %dma_wait3A_143 = tpu.memref_slice %arg3[%add3A_77] : memref<524288xi32, #tpu.memory_space<hbm>> -> memref<512xi32, #tpu.memory_space<hbm>>
        tpu.wait_dma2 semaphore(%run_scoped3A : memref<!tpu.dma_semaphore, #tpu.memory_space<semaphore_mem>>) src(%dma_wait3A_143 : memref<512xi32, #tpu.memory_space<hbm>>) dst(%arg5 : memref<512xi32, #tpu.memory_space<vmem>>)
        tpu.yield
      }) : () -> ()
      %dma_wait3A_78 = arith.constant 0 : i32
      %dma_wait3A_79 = tpu.memref_slice %arg4[%add3A_75, %dma_wait3A_78] : memref<131072x128xi32, #tpu.memory_space<hbm>> -> memref<512x32xi32, #tpu.memory_space<hbm>>
      %dma_wait3A_80 = arith.constant 0 : i32
      %dma_wait3A_81 = tpu.memref_slice %arg4[%add3A_75, %dma_wait3A_80] : memref<131072x128xi32, #tpu.memory_space<hbm>> -> memref<512x32xi32, #tpu.memory_space<hbm>>
      tpu.wait_dma2 semaphore(%arg14 : memref<!tpu.dma_semaphore, #tpu.memory_space<semaphore_mem>>) src(%arg9 : memref<512x32xi32, #tpu.memory_space<vmem>>) dst(%dma_wait3A_81 : memref<512x32xi32, #tpu.memory_space<hbm>>)
      %dma_start3A_82 = arith.constant 0 : i32
      %dma_start3A_83 = arith.constant 0 : i32
      %dma_start3A_84 = tpu.memref_slice %arg2[%dma_start3A_82, %dma_start3A_83] : memref<65536x32xi32, #tpu.memory_space<hbm>> -> memref<65536x32xi32, #tpu.memory_space<hbm>>
      tpu.enqueue_indirect_dma source(%dma_start3A_84 : memref<65536x32xi32, #tpu.memory_space<hbm>>) target(%arg9 : memref<512x32xi32, #tpu.memory_space<vmem>>) offsets(%arg5 : memref<512xi32, #tpu.memory_space<vmem>>) semaphore(%arg13 : memref<!tpu.dma_semaphore, #tpu.memory_space<semaphore_mem>>)
      %dma_wait3A_85 = arith.constant 0 : i32
      %dma_wait3A_86 = arith.constant 0 : i32
      %dma_wait3A_87 = tpu.memref_slice %arg2[%dma_wait3A_85, %dma_wait3A_86] : memref<65536x32xi32, #tpu.memory_space<hbm>> -> memref<65536x32xi32, #tpu.memory_space<hbm>>
      tpu.wait_indirect_dma semaphore(%arg13 : memref<!tpu.dma_semaphore, #tpu.memory_space<semaphore_mem>>) src(%dma_wait3A_87 : memref<65536x32xi32, #tpu.memory_space<hbm>>) dst(%arg9 : memref<512x32xi32, #tpu.memory_space<vmem>>)
      %dma_start3A_88 = arith.constant 0 : i32
      %dma_start3A_89 = tpu.memref_slice %arg4[%add3A_75, %dma_start3A_88] : memref<131072x128xi32, #tpu.memory_space<hbm>> -> memref<512x32xi32, #tpu.memory_space<hbm>>
      %dma_start3A_90 = arith.constant 0 : i32
      %dma_start3A_91 = tpu.memref_slice %arg4[%add3A_75, %dma_start3A_90] : memref<131072x128xi32, #tpu.memory_space<hbm>> -> memref<512x32xi32, #tpu.memory_space<hbm>>
      tpu.enqueue_dma source(%arg9 : memref<512x32xi32, #tpu.memory_space<vmem>>) target(%dma_start3A_91 : memref<512x32xi32, #tpu.memory_space<hbm>>) target_semaphore(%arg14 : memref<!tpu.dma_semaphore, #tpu.memory_space<semaphore_mem>>)
      %add3A_92 = arith.constant 131072 : i32
      %add3A_93 = arith.addi %add3A_92, %add3A_75 : i32
      "tpu.region"() ({
        %run_scoped3A = tpu.sem_alloc : memref<!tpu.dma_semaphore, #tpu.memory_space<semaphore_mem>>
        %dma_start3A_140 = tpu.memref_slice %arg3[%add3A_93] : memref<524288xi32, #tpu.memory_space<hbm>> -> memref<512xi32, #tpu.memory_space<hbm>>
        %dma_start3A_141 = tpu.memref_slice %arg3[%add3A_93] : memref<524288xi32, #tpu.memory_space<hbm>> -> memref<512xi32, #tpu.memory_space<hbm>>
        tpu.enqueue_dma source(%dma_start3A_141 : memref<512xi32, #tpu.memory_space<hbm>>) target(%arg6 : memref<512xi32, #tpu.memory_space<vmem>>) target_semaphore(%run_scoped3A : memref<!tpu.dma_semaphore, #tpu.memory_space<semaphore_mem>>)
        %dma_wait3A_142 = tpu.memref_slice %arg3[%add3A_93] : memref<524288xi32, #tpu.memory_space<hbm>> -> memref<512xi32, #tpu.memory_space<hbm>>
        %dma_wait3A_143 = tpu.memref_slice %arg3[%add3A_93] : memref<524288xi32, #tpu.memory_space<hbm>> -> memref<512xi32, #tpu.memory_space<hbm>>
        tpu.wait_dma2 semaphore(%run_scoped3A : memref<!tpu.dma_semaphore, #tpu.memory_space<semaphore_mem>>) src(%dma_wait3A_143 : memref<512xi32, #tpu.memory_space<hbm>>) dst(%arg6 : memref<512xi32, #tpu.memory_space<vmem>>)
        tpu.yield
      }) : () -> ()
      %dma_wait3A_94 = arith.constant 32 : i32
      %dma_wait3A_95 = tpu.memref_slice %arg4[%add3A_75, %dma_wait3A_94] : memref<131072x128xi32, #tpu.memory_space<hbm>> -> memref<512x32xi32, #tpu.memory_space<hbm>>
      %dma_wait3A_96 = arith.constant 32 : i32
      %dma_wait3A_97 = tpu.memref_slice %arg4[%add3A_75, %dma_wait3A_96] : memref<131072x128xi32, #tpu.memory_space<hbm>> -> memref<512x32xi32, #tpu.memory_space<hbm>>
      tpu.wait_dma2 semaphore(%arg15 : memref<!tpu.dma_semaphore, #tpu.memory_space<semaphore_mem>>) src(%arg10 : memref<512x32xi32, #tpu.memory_space<vmem>>) dst(%dma_wait3A_97 : memref<512x32xi32, #tpu.memory_space<hbm>>)
      %dma_start3A_98 = arith.constant 0 : i32
      %dma_start3A_99 = arith.constant 0 : i32
      %dma_start3A_100 = tpu.memref_slice %arg2[%dma_start3A_98, %dma_start3A_99] : memref<65536x32xi32, #tpu.memory_space<hbm>> -> memref<65536x32xi32, #tpu.memory_space<hbm>>
      tpu.enqueue_indirect_dma source(%dma_start3A_100 : memref<65536x32xi32, #tpu.memory_space<hbm>>) target(%arg10 : memref<512x32xi32, #tpu.memory_space<vmem>>) offsets(%arg6 : memref<512xi32, #tpu.memory_space<vmem>>) semaphore(%arg13 : memref<!tpu.dma_semaphore, #tpu.memory_space<semaphore_mem>>)
      %dma_wait3A_101 = arith.constant 0 : i32
      %dma_wait3A_102 = arith.constant 0 : i32
      %dma_wait3A_103 = tpu.memref_slice %arg2[%dma_wait3A_101, %dma_wait3A_102] : memref<65536x32xi32, #tpu.memory_space<hbm>> -> memref<65536x32xi32, #tpu.memory_space<hbm>>
      tpu.wait_indirect_dma semaphore(%arg13 : memref<!tpu.dma_semaphore, #tpu.memory_space<semaphore_mem>>) src(%dma_wait3A_103 : memref<65536x32xi32, #tpu.memory_space<hbm>>) dst(%arg10 : memref<512x32xi32, #tpu.memory_space<vmem>>)
      %dma_start3A_104 = arith.constant 32 : i32
      %dma_start3A_105 = tpu.memref_slice %arg4[%add3A_75, %dma_start3A_104] : memref<131072x128xi32, #tpu.memory_space<hbm>> -> memref<512x32xi32, #tpu.memory_space<hbm>>
      %dma_start3A_106 = arith.constant 32 : i32
      %dma_start3A_107 = tpu.memref_slice %arg4[%add3A_75, %dma_start3A_106] : memref<131072x128xi32, #tpu.memory_space<hbm>> -> memref<512x32xi32, #tpu.memory_space<hbm>>
      tpu.enqueue_dma source(%arg10 : memref<512x32xi32, #tpu.memory_space<vmem>>) target(%dma_start3A_107 : memref<512x32xi32, #tpu.memory_space<hbm>>) target_semaphore(%arg15 : memref<!tpu.dma_semaphore, #tpu.memory_space<semaphore_mem>>)
      %add3A_108 = arith.constant 262144 : i32
      %add3A_109 = arith.addi %add3A_108, %add3A_75 : i32
      "tpu.region"() ({
        %run_scoped3A = tpu.sem_alloc : memref<!tpu.dma_semaphore, #tpu.memory_space<semaphore_mem>>
        %dma_start3A_140 = tpu.memref_slice %arg3[%add3A_109] : memref<524288xi32, #tpu.memory_space<hbm>> -> memref<512xi32, #tpu.memory_space<hbm>>
        %dma_start3A_141 = tpu.memref_slice %arg3[%add3A_109] : memref<524288xi32, #tpu.memory_space<hbm>> -> memref<512xi32, #tpu.memory_space<hbm>>
        tpu.enqueue_dma source(%dma_start3A_141 : memref<512xi32, #tpu.memory_space<hbm>>) target(%arg7 : memref<512xi32, #tpu.memory_space<vmem>>) target_semaphore(%run_scoped3A : memref<!tpu.dma_semaphore, #tpu.memory_space<semaphore_mem>>)
        %dma_wait3A_142 = tpu.memref_slice %arg3[%add3A_109] : memref<524288xi32, #tpu.memory_space<hbm>> -> memref<512xi32, #tpu.memory_space<hbm>>
        %dma_wait3A_143 = tpu.memref_slice %arg3[%add3A_109] : memref<524288xi32, #tpu.memory_space<hbm>> -> memref<512xi32, #tpu.memory_space<hbm>>
        tpu.wait_dma2 semaphore(%run_scoped3A : memref<!tpu.dma_semaphore, #tpu.memory_space<semaphore_mem>>) src(%dma_wait3A_143 : memref<512xi32, #tpu.memory_space<hbm>>) dst(%arg7 : memref<512xi32, #tpu.memory_space<vmem>>)
        tpu.yield
      }) : () -> ()
      %dma_wait3A_110 = arith.constant 64 : i32
      %dma_wait3A_111 = tpu.memref_slice %arg4[%add3A_75, %dma_wait3A_110] : memref<131072x128xi32, #tpu.memory_space<hbm>> -> memref<512x32xi32, #tpu.memory_space<hbm>>
      %dma_wait3A_112 = arith.constant 64 : i32
      %dma_wait3A_113 = tpu.memref_slice %arg4[%add3A_75, %dma_wait3A_112] : memref<131072x128xi32, #tpu.memory_space<hbm>> -> memref<512x32xi32, #tpu.memory_space<hbm>>
      tpu.wait_dma2 semaphore(%arg16 : memref<!tpu.dma_semaphore, #tpu.memory_space<semaphore_mem>>) src(%arg11 : memref<512x32xi32, #tpu.memory_space<vmem>>) dst(%dma_wait3A_113 : memref<512x32xi32, #tpu.memory_space<hbm>>)
      %dma_start3A_114 = arith.constant 0 : i32
      %dma_start3A_115 = arith.constant 0 : i32
      %dma_start3A_116 = tpu.memref_slice %arg2[%dma_start3A_114, %dma_start3A_115] : memref<65536x32xi32, #tpu.memory_space<hbm>> -> memref<65536x32xi32, #tpu.memory_space<hbm>>
      tpu.enqueue_indirect_dma source(%dma_start3A_116 : memref<65536x32xi32, #tpu.memory_space<hbm>>) target(%arg11 : memref<512x32xi32, #tpu.memory_space<vmem>>) offsets(%arg7 : memref<512xi32, #tpu.memory_space<vmem>>) semaphore(%arg13 : memref<!tpu.dma_semaphore, #tpu.memory_space<semaphore_mem>>)
      %dma_wait3A_117 = arith.constant 0 : i32
      %dma_wait3A_118 = arith.constant 0 : i32
      %dma_wait3A_119 = tpu.memref_slice %arg2[%dma_wait3A_117, %dma_wait3A_118] : memref<65536x32xi32, #tpu.memory_space<hbm>> -> memref<65536x32xi32, #tpu.memory_space<hbm>>
      tpu.wait_indirect_dma semaphore(%arg13 : memref<!tpu.dma_semaphore, #tpu.memory_space<semaphore_mem>>) src(%dma_wait3A_119 : memref<65536x32xi32, #tpu.memory_space<hbm>>) dst(%arg11 : memref<512x32xi32, #tpu.memory_space<vmem>>)
      %dma_start3A_120 = arith.constant 64 : i32
      %dma_start3A_121 = tpu.memref_slice %arg4[%add3A_75, %dma_start3A_120] : memref<131072x128xi32, #tpu.memory_space<hbm>> -> memref<512x32xi32, #tpu.memory_space<hbm>>
      %dma_start3A_122 = arith.constant 64 : i32
      %dma_start3A_123 = tpu.memref_slice %arg4[%add3A_75, %dma_start3A_122] : memref<131072x128xi32, #tpu.memory_space<hbm>> -> memref<512x32xi32, #tpu.memory_space<hbm>>
      tpu.enqueue_dma source(%arg11 : memref<512x32xi32, #tpu.memory_space<vmem>>) target(%dma_start3A_123 : memref<512x32xi32, #tpu.memory_space<hbm>>) target_semaphore(%arg16 : memref<!tpu.dma_semaphore, #tpu.memory_space<semaphore_mem>>)
      %add3A_124 = arith.constant 393216 : i32
      %add3A_125 = arith.addi %add3A_124, %add3A_75 : i32
      "tpu.region"() ({
        %run_scoped3A = tpu.sem_alloc : memref<!tpu.dma_semaphore, #tpu.memory_space<semaphore_mem>>
        %dma_start3A_140 = tpu.memref_slice %arg3[%add3A_125] : memref<524288xi32, #tpu.memory_space<hbm>> -> memref<512xi32, #tpu.memory_space<hbm>>
        %dma_start3A_141 = tpu.memref_slice %arg3[%add3A_125] : memref<524288xi32, #tpu.memory_space<hbm>> -> memref<512xi32, #tpu.memory_space<hbm>>
        tpu.enqueue_dma source(%dma_start3A_141 : memref<512xi32, #tpu.memory_space<hbm>>) target(%arg8 : memref<512xi32, #tpu.memory_space<vmem>>) target_semaphore(%run_scoped3A : memref<!tpu.dma_semaphore, #tpu.memory_space<semaphore_mem>>)
        %dma_wait3A_142 = tpu.memref_slice %arg3[%add3A_125] : memref<524288xi32, #tpu.memory_space<hbm>> -> memref<512xi32, #tpu.memory_space<hbm>>
        %dma_wait3A_143 = tpu.memref_slice %arg3[%add3A_125] : memref<524288xi32, #tpu.memory_space<hbm>> -> memref<512xi32, #tpu.memory_space<hbm>>
        tpu.wait_dma2 semaphore(%run_scoped3A : memref<!tpu.dma_semaphore, #tpu.memory_space<semaphore_mem>>) src(%dma_wait3A_143 : memref<512xi32, #tpu.memory_space<hbm>>) dst(%arg8 : memref<512xi32, #tpu.memory_space<vmem>>)
        tpu.yield
      }) : () -> ()
      %dma_wait3A_126 = arith.constant 96 : i32
      %dma_wait3A_127 = tpu.memref_slice %arg4[%add3A_75, %dma_wait3A_126] : memref<131072x128xi32, #tpu.memory_space<hbm>> -> memref<512x32xi32, #tpu.memory_space<hbm>>
      %dma_wait3A_128 = arith.constant 96 : i32
      %dma_wait3A_129 = tpu.memref_slice %arg4[%add3A_75, %dma_wait3A_128] : memref<131072x128xi32, #tpu.memory_space<hbm>> -> memref<512x32xi32, #tpu.memory_space<hbm>>
      tpu.wait_dma2 semaphore(%arg17 : memref<!tpu.dma_semaphore, #tpu.memory_space<semaphore_mem>>) src(%arg12 : memref<512x32xi32, #tpu.memory_space<vmem>>) dst(%dma_wait3A_129 : memref<512x32xi32, #tpu.memory_space<hbm>>)
      %dma_start3A_130 = arith.constant 0 : i32
      %dma_start3A_131 = arith.constant 0 : i32
      %dma_start3A_132 = tpu.memref_slice %arg2[%dma_start3A_130, %dma_start3A_131] : memref<65536x32xi32, #tpu.memory_space<hbm>> -> memref<65536x32xi32, #tpu.memory_space<hbm>>
      tpu.enqueue_indirect_dma source(%dma_start3A_132 : memref<65536x32xi32, #tpu.memory_space<hbm>>) target(%arg12 : memref<512x32xi32, #tpu.memory_space<vmem>>) offsets(%arg8 : memref<512xi32, #tpu.memory_space<vmem>>) semaphore(%arg13 : memref<!tpu.dma_semaphore, #tpu.memory_space<semaphore_mem>>)
      %dma_wait3A_133 = arith.constant 0 : i32
      %dma_wait3A_134 = arith.constant 0 : i32
      %dma_wait3A_135 = tpu.memref_slice %arg2[%dma_wait3A_133, %dma_wait3A_134] : memref<65536x32xi32, #tpu.memory_space<hbm>> -> memref<65536x32xi32, #tpu.memory_space<hbm>>
      tpu.wait_indirect_dma semaphore(%arg13 : memref<!tpu.dma_semaphore, #tpu.memory_space<semaphore_mem>>) src(%dma_wait3A_135 : memref<65536x32xi32, #tpu.memory_space<hbm>>) dst(%arg12 : memref<512x32xi32, #tpu.memory_space<vmem>>)
      %dma_start3A_136 = arith.constant 96 : i32
      %dma_start3A_137 = tpu.memref_slice %arg4[%add3A_75, %dma_start3A_136] : memref<131072x128xi32, #tpu.memory_space<hbm>> -> memref<512x32xi32, #tpu.memory_space<hbm>>
      %dma_start3A_138 = arith.constant 96 : i32
      %dma_start3A_139 = tpu.memref_slice %arg4[%add3A_75, %dma_start3A_138] : memref<131072x128xi32, #tpu.memory_space<hbm>> -> memref<512x32xi32, #tpu.memory_space<hbm>>
      tpu.enqueue_dma source(%arg12 : memref<512x32xi32, #tpu.memory_space<vmem>>) target(%dma_start3A_139 : memref<512x32xi32, #tpu.memory_space<hbm>>) target_semaphore(%arg17 : memref<!tpu.dma_semaphore, #tpu.memory_space<semaphore_mem>>)
    }
    %scan3A_55 = arith.constant 7 : i32
    %dma_wait3A_56 = arith.constant 0 : i32
    %dma_wait3A_57 = tpu.memref_slice %arg4[%mul3A_2, %dma_wait3A_56] : memref<131072x128xi32, #tpu.memory_space<hbm>> -> memref<512x32xi32, #tpu.memory_space<hbm>>
    %dma_wait3A_58 = arith.constant 0 : i32
    %dma_wait3A_59 = tpu.memref_slice %arg4[%mul3A_2, %dma_wait3A_58] : memref<131072x128xi32, #tpu.memory_space<hbm>> -> memref<512x32xi32, #tpu.memory_space<hbm>>
    tpu.wait_dma2 semaphore(%arg14 : memref<!tpu.dma_semaphore, #tpu.memory_space<semaphore_mem>>) src(%arg9 : memref<512x32xi32, #tpu.memory_space<vmem>>) dst(%dma_wait3A_59 : memref<512x32xi32, #tpu.memory_space<hbm>>)
    %dma_wait3A_60 = arith.constant 32 : i32
    %dma_wait3A_61 = tpu.memref_slice %arg4[%mul3A_2, %dma_wait3A_60] : memref<131072x128xi32, #tpu.memory_space<hbm>> -> memref<512x32xi32, #tpu.memory_space<hbm>>
    %dma_wait3A_62 = arith.constant 32 : i32
    %dma_wait3A_63 = tpu.memref_slice %arg4[%mul3A_2, %dma_wait3A_62] : memref<131072x128xi32, #tpu.memory_space<hbm>> -> memref<512x32xi32, #tpu.memory_space<hbm>>
    tpu.wait_dma2 semaphore(%arg15 : memref<!tpu.dma_semaphore, #tpu.memory_space<semaphore_mem>>) src(%arg10 : memref<512x32xi32, #tpu.memory_space<vmem>>) dst(%dma_wait3A_63 : memref<512x32xi32, #tpu.memory_space<hbm>>)
    %dma_wait3A_64 = arith.constant 64 : i32
    %dma_wait3A_65 = tpu.memref_slice %arg4[%mul3A_2, %dma_wait3A_64] : memref<131072x128xi32, #tpu.memory_space<hbm>> -> memref<512x32xi32, #tpu.memory_space<hbm>>
    %dma_wait3A_66 = arith.constant 64 : i32
    %dma_wait3A_67 = tpu.memref_slice %arg4[%mul3A_2, %dma_wait3A_66] : memref<131072x128xi32, #tpu.memory_space<hbm>> -> memref<512x32xi32, #tpu.memory_space<hbm>>
    tpu.wait_dma2 semaphore(%arg16 : memref<!tpu.dma_semaphore, #tpu.memory_space<semaphore_mem>>) src(%arg11 : memref<512x32xi32, #tpu.memory_space<vmem>>) dst(%dma_wait3A_67 : memref<512x32xi32, #tpu.memory_space<hbm>>)
    %dma_wait3A_68 = arith.constant 96 : i32
    %dma_wait3A_69 = tpu.memref_slice %arg4[%mul3A_2, %dma_wait3A_68] : memref<131072x128xi32, #tpu.memory_space<hbm>> -> memref<512x32xi32, #tpu.memory_space<hbm>>
    %dma_wait3A_70 = arith.constant 96 : i32
    %dma_wait3A_71 = tpu.memref_slice %arg4[%mul3A_2, %dma_wait3A_70] : memref<131072x128xi32, #tpu.memory_space<hbm>> -> memref<512x32xi32, #tpu.memory_space<hbm>>
    tpu.wait_dma2 semaphore(%arg17 : memref<!tpu.dma_semaphore, #tpu.memory_space<semaphore_mem>>) src(%arg12 : memref<512x32xi32, #tpu.memory_space<vmem>>) dst(%dma_wait3A_71 : memref<512x32xi32, #tpu.memory_space<hbm>>)
    return
  }
}

module attributes {stable_mosaic.version = 14 : i64} {
  func.func @_prep_body(%arg0: i32, %arg1: memref<4096x4xi32, #tpu.memory_space<vmem>>, %arg2: memref<4096x64xf32, #tpu.memory_space<vmem>>, %arg3: memref<8x64xf32, #tpu.memory_space<vmem>>, %arg4: memref<8x64xf32, #tpu.memory_space<vmem>>, %arg5: memref<64x128xbf16, #tpu.memory_space<vmem>>, %arg6: memref<4096x32xi32, #tpu.memory_space<vmem>>, %arg7: memref<4096x32xi32, #tpu.memory_space<vmem>>) attributes {dimension_semantics = [#tpu.dimension_semantics<arbitrary>], iteration_bounds = array<i64: 16>, scalar_prefetch = 0 : i64, scratch_operands = 0 : i64, tpu.core_type = #tpu.core_type<tc>, window_params = [{transform_indices = @transform_0, window_bounds = array<i64: 4096, 4>}, {transform_indices = @transform_1, window_bounds = array<i64: 4096, 64>}, {pipeline_mode = #tpu.pipeline_mode<synchronous>, transform_indices = @transform_2, window_bounds = array<i64: 8, 64>}, {pipeline_mode = #tpu.pipeline_mode<synchronous>, transform_indices = @transform_3, window_bounds = array<i64: 8, 64>}, {pipeline_mode = #tpu.pipeline_mode<synchronous>, transform_indices = @transform_4, window_bounds = array<i64: 64, 128>}, {transform_indices = @transform_5, window_bounds = array<i64: 4096, 32>}, {transform_indices = @transform_6, window_bounds = array<i64: 4096, 32>}]} {
    %get3A = arith.constant 0 : index
    %get3A_0 = arith.constant 3 : index
    %get3A_1 = vector.load %arg1[%get3A, %get3A_0] : memref<4096x4xi32, #tpu.memory_space<vmem>>, vector<4096x1xi32>
    %convert_element_type3A = arith.sitofp %get3A_1 : vector<4096x1xi32> to vector<4096x1xf32>
    %add3A = arith.constant 5.000000e-01 : f32
    %add3A_2 = vector.broadcast %add3A : f32 to vector<4096x1xf32>
    %add3A_3 = arith.addf %convert_element_type3A, %add3A_2 : vector<4096x1xf32>
    %mul3A = arith.constant 5.000000e-02 : f32
    %mul3A_4 = vector.broadcast %mul3A : f32 to vector<4096x1xf32>
    %mul3A_5 = arith.mulf %add3A_3, %mul3A_4 : vector<4096x1xf32>
    %get3A_6 = arith.constant 0 : index
    %get3A_7 = arith.constant 2 : index
    %get3A_8 = vector.load %arg1[%get3A_6, %get3A_7] : memref<4096x4xi32, #tpu.memory_space<vmem>>, vector<4096x1xi32>
    %convert_element_type3A_9 = arith.sitofp %get3A_8 : vector<4096x1xi32> to vector<4096x1xf32>
    %add3A_10 = arith.constant 5.000000e-01 : f32
    %add3A_11 = vector.broadcast %add3A_10 : f32 to vector<4096x1xf32>
    %add3A_12 = arith.addf %convert_element_type3A_9, %add3A_11 : vector<4096x1xf32>
    %mul3A_13 = arith.constant 5.000000e-02 : f32
    %mul3A_14 = vector.broadcast %mul3A_13 : f32 to vector<4096x1xf32>
    %mul3A_15 = arith.mulf %add3A_12, %mul3A_14 : vector<4096x1xf32>
    %sub3A = arith.constant 4.000000e+01 : f32
    %sub3A_16 = vector.broadcast %sub3A : f32 to vector<4096x1xf32>
    %sub3A_17 = arith.subf %mul3A_15, %sub3A_16 : vector<4096x1xf32>
    %get3A_18 = arith.constant 0 : index
    %get3A_19 = arith.constant 1 : index
    %get3A_20 = vector.load %arg1[%get3A_18, %get3A_19] : memref<4096x4xi32, #tpu.memory_space<vmem>>, vector<4096x1xi32>
    %convert_element_type3A_21 = arith.sitofp %get3A_20 : vector<4096x1xi32> to vector<4096x1xf32>
    %add3A_22 = arith.constant 5.000000e-01 : f32
    %add3A_23 = vector.broadcast %add3A_22 : f32 to vector<4096x1xf32>
    %add3A_24 = arith.addf %convert_element_type3A_21, %add3A_23 : vector<4096x1xf32>
    %mul3A_25 = arith.constant 1.000000e-01 : f32
    %mul3A_26 = vector.broadcast %mul3A_25 : f32 to vector<4096x1xf32>
    %mul3A_27 = arith.mulf %add3A_24, %mul3A_26 : vector<4096x1xf32>
    %sub3A_28 = arith.constant 3.000000e+00 : f32
    %sub3A_29 = vector.broadcast %sub3A_28 : f32 to vector<4096x1xf32>
    %sub3A_30 = arith.subf %mul3A_27, %sub3A_29 : vector<4096x1xf32>
    %get3A_31 = arith.constant 0 : index
    %get3A_32 = arith.constant 0 : index
    %get3A_33 = vector.load %arg2[%get3A_31, %get3A_32] : memref<4096x64xf32, #tpu.memory_space<vmem>>, vector<4096x64xf32>
    %convert_element_type3A_34 = arith.truncf %get3A_33 : vector<4096x64xf32> to vector<4096x64xbf16>
    %get3A_35 = arith.constant 0 : index
    %get3A_36 = arith.constant 0 : index
    %get3A_37 = vector.load %arg5[%get3A_35, %get3A_36] : memref<64x128xbf16, #tpu.memory_space<vmem>>, vector<64x128xbf16>
    %dot_general3A = arith.constant dense<0.000000e+00> : vector<4096x128xf32>
    %dot_general3A_38 = tpu.matmul %convert_element_type3A_34, %get3A_37, %dot_general3A {dimension_numbers = #tpu.dot_dimension_numbers<[1], [0], [0], [1], [0, 0, 1, 1], [], []>, transpose_lhs_hint = false} : vector<4096x64xbf16>, vector<64x128xbf16>, vector<4096x128xf32> -> vector<4096x128xf32>
    %get3A_39 = arith.constant 0 : index
    %get3A_40 = arith.constant 0 : index
    %get3A_41 = vector.load %arg3[%get3A_39, %get3A_40] : memref<8x64xf32, #tpu.memory_space<vmem>>, vector<1x64xf32>
    %mul3A_42 = vector.broadcast %mul3A_5 : vector<4096x1xf32> to vector<4096x64xf32>
    %mul3A_43 = vector.broadcast %get3A_41 : vector<1x64xf32> to vector<4096x64xf32>
    %mul3A_44 = arith.mulf %mul3A_42, %mul3A_43 : vector<4096x64xf32>
    %get3A_45 = arith.constant 1 : index
    %get3A_46 = arith.constant 0 : index
    %get3A_47 = vector.load %arg3[%get3A_45, %get3A_46] : memref<8x64xf32, #tpu.memory_space<vmem>>, vector<1x64xf32>
    %mul3A_48 = vector.broadcast %sub3A_17 : vector<4096x1xf32> to vector<4096x64xf32>
    %mul3A_49 = vector.broadcast %get3A_47 : vector<1x64xf32> to vector<4096x64xf32>
    %mul3A_50 = arith.mulf %mul3A_48, %mul3A_49 : vector<4096x64xf32>
    %add3A_51 = arith.addf %mul3A_44, %mul3A_50 : vector<4096x64xf32>
    %get3A_52 = arith.constant 2 : index
    %get3A_53 = arith.constant 0 : index
    %get3A_54 = vector.load %arg3[%get3A_52, %get3A_53] : memref<8x64xf32, #tpu.memory_space<vmem>>, vector<1x64xf32>
    %mul3A_55 = vector.broadcast %sub3A_30 : vector<4096x1xf32> to vector<4096x64xf32>
    %mul3A_56 = vector.broadcast %get3A_54 : vector<1x64xf32> to vector<4096x64xf32>
    %mul3A_57 = arith.mulf %mul3A_55, %mul3A_56 : vector<4096x64xf32>
    %add3A_58 = arith.addf %add3A_51, %mul3A_57 : vector<4096x64xf32>
    %slice3A = vector.extract_strided_slice %dot_general3A_38 {offsets = [0, 0], sizes = [4096, 64], strides = [1, 1]} : vector<4096x128xf32> to vector<4096x64xf32>
    %add3A_59 = arith.addf %add3A_58, %slice3A : vector<4096x64xf32>
    %get3A_60 = arith.constant 0 : index
    %get3A_61 = arith.constant 0 : index
    %get3A_62 = vector.load %arg4[%get3A_60, %get3A_61] : memref<8x64xf32, #tpu.memory_space<vmem>>, vector<1x64xf32>
    %mul3A_63 = vector.broadcast %mul3A_5 : vector<4096x1xf32> to vector<4096x64xf32>
    %mul3A_64 = vector.broadcast %get3A_62 : vector<1x64xf32> to vector<4096x64xf32>
    %mul3A_65 = arith.mulf %mul3A_63, %mul3A_64 : vector<4096x64xf32>
    %get3A_66 = arith.constant 1 : index
    %get3A_67 = arith.constant 0 : index
    %get3A_68 = vector.load %arg4[%get3A_66, %get3A_67] : memref<8x64xf32, #tpu.memory_space<vmem>>, vector<1x64xf32>
    %mul3A_69 = vector.broadcast %sub3A_17 : vector<4096x1xf32> to vector<4096x64xf32>
    %mul3A_70 = vector.broadcast %get3A_68 : vector<1x64xf32> to vector<4096x64xf32>
    %mul3A_71 = arith.mulf %mul3A_69, %mul3A_70 : vector<4096x64xf32>
    %add3A_72 = arith.addf %mul3A_65, %mul3A_71 : vector<4096x64xf32>
    %get3A_73 = arith.constant 2 : index
    %get3A_74 = arith.constant 0 : index
    %get3A_75 = vector.load %arg4[%get3A_73, %get3A_74] : memref<8x64xf32, #tpu.memory_space<vmem>>, vector<1x64xf32>
    %mul3A_76 = vector.broadcast %sub3A_30 : vector<4096x1xf32> to vector<4096x64xf32>
    %mul3A_77 = vector.broadcast %get3A_75 : vector<1x64xf32> to vector<4096x64xf32>
    %mul3A_78 = arith.mulf %mul3A_76, %mul3A_77 : vector<4096x64xf32>
    %add3A_79 = arith.addf %add3A_72, %mul3A_78 : vector<4096x64xf32>
    %slice3A_80 = vector.extract_strided_slice %dot_general3A_38 {offsets = [0, 64], sizes = [4096, 64], strides = [1, 1]} : vector<4096x128xf32> to vector<4096x64xf32>
    %add3A_81 = arith.addf %add3A_79, %slice3A_80 : vector<4096x64xf32>
    %slice3A_82 = vector.extract_strided_slice %add3A_59 {offsets = [0, 0], sizes = [4096, 32], strides = [1, 1]} : vector<4096x64xf32> to vector<4096x32xf32>
    %convert_element_type3A_83 = arith.truncf %slice3A_82 : vector<4096x32xf32> to vector<4096x32xbf16>
    %convert_element_type3A_84 = arith.extf %convert_element_type3A_83 : vector<4096x32xbf16> to vector<4096x32xf32>
    %bitcast_convert_type3A = tpu.bitcast %convert_element_type3A_84 : vector<4096x32xf32> -> vector<4096x32xi32>
    %slice3A_85 = vector.extract_strided_slice %add3A_59 {offsets = [0, 32], sizes = [4096, 32], strides = [1, 1]} : vector<4096x64xf32> to vector<4096x32xf32>
    %convert_element_type3A_86 = arith.truncf %slice3A_85 : vector<4096x32xf32> to vector<4096x32xbf16>
    %convert_element_type3A_87 = arith.extf %convert_element_type3A_86 : vector<4096x32xbf16> to vector<4096x32xf32>
    %bitcast_convert_type3A_88 = tpu.bitcast %convert_element_type3A_87 : vector<4096x32xf32> -> vector<4096x32xi32>
    %shift_right_logical3A = arith.constant 16 : i32
    %shift_right_logical3A_89 = vector.broadcast %shift_right_logical3A : i32 to vector<4096x32xi32>
    %shift_right_logical3A_90 = arith.shrui %bitcast_convert_type3A, %shift_right_logical3A_89 : vector<4096x32xi32>
    %or3A = arith.ori %bitcast_convert_type3A_88, %shift_right_logical3A_90 : vector<4096x32xi32>
    %bitcast_convert_type3A_91 = tpu.bitcast %or3A : vector<4096x32xi32> -> vector<4096x32xi32>
    %swap3A = arith.constant 0 : index
    %swap3A_92 = arith.constant 0 : index
    %swap3A_93 = vector.load %arg6[%swap3A, %swap3A_92] : memref<4096x32xi32, #tpu.memory_space<vmem>>, vector<4096x32xi32>
    tpu.vector_store %arg6[%swap3A, %swap3A_92], %bitcast_convert_type3A_91 {strides = array<i32>} : memref<4096x32xi32, #tpu.memory_space<vmem>>, vector<4096x32xi32>,
    %slice3A_94 = vector.extract_strided_slice %add3A_81 {offsets = [0, 0], sizes = [4096, 32], strides = [1, 1]} : vector<4096x64xf32> to vector<4096x32xf32>
    %convert_element_type3A_95 = arith.truncf %slice3A_94 : vector<4096x32xf32> to vector<4096x32xbf16>
    %convert_element_type3A_96 = arith.extf %convert_element_type3A_95 : vector<4096x32xbf16> to vector<4096x32xf32>
    %bitcast_convert_type3A_97 = tpu.bitcast %convert_element_type3A_96 : vector<4096x32xf32> -> vector<4096x32xi32>
    %slice3A_98 = vector.extract_strided_slice %add3A_81 {offsets = [0, 32], sizes = [4096, 32], strides = [1, 1]} : vector<4096x64xf32> to vector<4096x32xf32>
    %convert_element_type3A_99 = arith.truncf %slice3A_98 : vector<4096x32xf32> to vector<4096x32xbf16>
    %convert_element_type3A_100 = arith.extf %convert_element_type3A_99 : vector<4096x32xbf16> to vector<4096x32xf32>
    %bitcast_convert_type3A_101 = tpu.bitcast %convert_element_type3A_100 : vector<4096x32xf32> -> vector<4096x32xi32>
    %shift_right_logical3A_102 = arith.constant 16 : i32
    %shift_right_logical3A_103 = vector.broadcast %shift_right_logical3A_102 : i32 to vector<4096x32xi32>
    %shift_right_logical3A_104 = arith.shrui %bitcast_convert_type3A_97, %shift_right_logical3A_103 : vector<4096x32xi32>
    %or3A_105 = arith.ori %bitcast_convert_type3A_101, %shift_right_logical3A_104 : vector<4096x32xi32>
    %bitcast_convert_type3A_106 = tpu.bitcast %or3A_105 : vector<4096x32xi32> -> vector<4096x32xi32>
    %swap3A_107 = arith.constant 0 : index
    %swap3A_108 = arith.constant 0 : index
    %swap3A_109 = vector.load %arg7[%swap3A_107, %swap3A_108] : memref<4096x32xi32, #tpu.memory_space<vmem>>, vector<4096x32xi32>
    tpu.vector_store %arg7[%swap3A_107, %swap3A_108], %bitcast_convert_type3A_106 {strides = array<i32>} : memref<4096x32xi32, #tpu.memory_space<vmem>>, vector<4096x32xi32>,
    return
  }
  func.func @transform_0(%arg0: i32) -> (i32, i32) {
    %c0_i32 = arith.constant 0 : i32
    %c0_i32_0 = arith.constant 0 : i32
    return %arg0, %c0_i32 : i32, i32
  }
  func.func @transform_1(%arg0: i32) -> (i32, i32) {
    %c0_i32 = arith.constant 0 : i32
    %c0_i32_0 = arith.constant 0 : i32
    return %arg0, %c0_i32 : i32, i32
  }
  func.func @transform_2(%arg0: i32) -> (i32, i32) {
    %c0_i32 = arith.constant 0 : i32
    %c0_i32_0 = arith.constant 0 : i32
    %c0_i32_1 = arith.constant 0 : i32
    return %c0_i32, %c0_i32_0 : i32, i32
  }
  func.func @transform_3(%arg0: i32) -> (i32, i32) {
    %c0_i32 = arith.constant 0 : i32
    %c0_i32_0 = arith.constant 0 : i32
    %c0_i32_1 = arith.constant 0 : i32
    return %c0_i32, %c0_i32_0 : i32, i32
  }
  func.func @transform_4(%arg0: i32) -> (i32, i32) {
    %c0_i32 = arith.constant 0 : i32
    %c0_i32_0 = arith.constant 0 : i32
    %c0_i32_1 = arith.constant 0 : i32
    return %c0_i32, %c0_i32_0 : i32, i32
  }
  func.func @transform_5(%arg0: i32) -> (i32, i32) {
    %c0_i32 = arith.constant 0 : i32
    %c0_i32_0 = arith.constant 0 : i32
    return %arg0, %c0_i32 : i32, i32
  }
  func.func @transform_6(%arg0: i32) -> (i32, i32) {
    %c0_i32 = arith.constant 0 : i32
    %c0_i32_0 = arith.constant 0 : i32
    return %arg0, %c0_i32 : i32, i32
  }
}

module attributes {stable_mosaic.version = 14 : i64} {
  func.func @_stats1_body(%arg0: i32, %arg1: memref<4x1024x128xi32, #tpu.memory_space<vmem>>, %arg2: memref<1024x4xf32, #tpu.memory_space<vmem>>, %arg3: memref<8x128xf32, #tpu.memory_space<vmem>>, %arg4: memref<8x128xf32, #tpu.memory_space<vmem>>, %arg5: memref<8x128xf32, #tpu.memory_space<vmem>>) attributes {dimension_semantics = [#tpu.dimension_semantics<arbitrary>], iteration_bounds = array<i64: 32>, scalar_prefetch = 0 : i64, scratch_operands = 0 : i64, tpu.core_type = #tpu.core_type<tc>, window_params = [{transform_indices = @transform_0, window_bounds = array<i64: 4, 1024, 128>}, {transform_indices = @transform_1, window_bounds = array<i64: 1024, 4>}, {pipeline_mode = #tpu.pipeline_mode<synchronous>, transform_indices = @transform_2, window_bounds = array<i64: 8, 128>}, {pipeline_mode = #tpu.pipeline_mode<synchronous>, transform_indices = @transform_3, window_bounds = array<i64: 8, 128>}, {pipeline_mode = #tpu.pipeline_mode<synchronous>, transform_indices = @transform_4, window_bounds = array<i64: 8, 128>}]} {
    %get3A = arith.constant 0 : index
    %get3A_0 = arith.constant 0 : index
    %get3A_1 = arith.constant 0 : index
    %get3A_2 = vector.load %arg1[%get3A, %get3A_0, %get3A_1] : memref<4x1024x128xi32, #tpu.memory_space<vmem>>, vector<4x1024x128xi32>
    %bitcast_convert_type3A = tpu.bitcast %get3A_2 : vector<4x1024x128xi32> -> vector<4x1024x128xi32>
    %shift_left3A = arith.constant 16 : i32
    %shift_left3A_3 = vector.broadcast %shift_left3A : i32 to vector<4x1024x128xi32>
    %shift_left3A_4 = arith.shli %bitcast_convert_type3A, %shift_left3A_3 : vector<4x1024x128xi32>
    %bitcast_convert_type3A_5 = tpu.bitcast %shift_left3A_4 : vector<4x1024x128xi32> -> vector<4x1024x128xf32>
    %and3A = arith.constant -65536 : i32
    %and3A_6 = vector.broadcast %and3A : i32 to vector<4x1024x128xi32>
    %and3A_7 = arith.andi %bitcast_convert_type3A, %and3A_6 : vector<4x1024x128xi32>
    %bitcast_convert_type3A_8 = tpu.bitcast %and3A_7 : vector<4x1024x128xi32> -> vector<4x1024x128xf32>
    %get3A_9 = arith.constant 0 : index
    %get3A_10 = arith.constant 3 : index
    %get3A_11 = vector.load %arg2[%get3A_9, %get3A_10] : memref<1024x4xf32, #tpu.memory_space<vmem>>, vector<1024x1xf32>
    %broadcast_in_dim3A = vector.shape_cast %get3A_11 : vector<1024x1xf32> to vector<1x1024x1xf32>
    %mul3A = vector.broadcast %broadcast_in_dim3A : vector<1x1024x1xf32> to vector<4x1024x128xf32>
    %mul3A_12 = arith.mulf %bitcast_convert_type3A_5, %mul3A : vector<4x1024x128xf32>
    %get3A_13 = arith.constant 0 : index
    %get3A_14 = arith.constant 0 : index
    %get3A_15 = vector.load %arg2[%get3A_13, %get3A_14] : memref<1024x4xf32, #tpu.memory_space<vmem>>, vector<1024x1xf32>
    %get3A_16 = arith.constant 0 : index
    %get3A_17 = arith.constant 0 : index
    %get3A_18 = vector.load %arg3[%get3A_16, %get3A_17] : memref<8x128xf32, #tpu.memory_space<vmem>>, vector<1x128xf32>
    %mul3A_19 = vector.broadcast %get3A_15 : vector<1024x1xf32> to vector<1024x128xf32>
    %mul3A_20 = vector.broadcast %get3A_18 : vector<1x128xf32> to vector<1024x128xf32>
    %mul3A_21 = arith.mulf %mul3A_19, %mul3A_20 : vector<1024x128xf32>
    %get3A_22 = arith.constant 0 : index
    %get3A_23 = arith.constant 1 : index
    %get3A_24 = vector.load %arg2[%get3A_22, %get3A_23] : memref<1024x4xf32, #tpu.memory_space<vmem>>, vector<1024x1xf32>
    %get3A_25 = arith.constant 1 : index
    %get3A_26 = arith.constant 0 : index
    %get3A_27 = vector.load %arg3[%get3A_25, %get3A_26] : memref<8x128xf32, #tpu.memory_space<vmem>>, vector<1x128xf32>
    %mul3A_28 = vector.broadcast %get3A_24 : vector<1024x1xf32> to vector<1024x128xf32>
    %mul3A_29 = vector.broadcast %get3A_27 : vector<1x128xf32> to vector<1024x128xf32>
    %mul3A_30 = arith.mulf %mul3A_28, %mul3A_29 : vector<1024x128xf32>
    %add3A = arith.addf %mul3A_21, %mul3A_30 : vector<1024x128xf32>
    %get3A_31 = arith.constant 0 : index
    %get3A_32 = arith.constant 2 : index
    %get3A_33 = vector.load %arg2[%get3A_31, %get3A_32] : memref<1024x4xf32, #tpu.memory_space<vmem>>, vector<1024x1xf32>
    %get3A_34 = arith.constant 2 : index
    %get3A_35 = arith.constant 0 : index
    %get3A_36 = vector.load %arg3[%get3A_34, %get3A_35] : memref<8x128xf32, #tpu.memory_space<vmem>>, vector<1x128xf32>
    %mul3A_37 = vector.broadcast %get3A_33 : vector<1024x1xf32> to vector<1024x128xf32>
    %mul3A_38 = vector.broadcast %get3A_36 : vector<1x128xf32> to vector<1024x128xf32>
    %mul3A_39 = arith.mulf %mul3A_37, %mul3A_38 : vector<1024x128xf32>
    %add3A_40 = arith.addf %add3A, %mul3A_39 : vector<1024x128xf32>
    %broadcast_in_dim3A_41 = vector.shape_cast %add3A_40 : vector<1024x128xf32> to vector<1x1024x128xf32>
    %sub3A = vector.broadcast %broadcast_in_dim3A_41 : vector<1x1024x128xf32> to vector<4x1024x128xf32>
    %sub3A_42 = arith.subf %mul3A_12, %sub3A : vector<4x1024x128xf32>
    %broadcast_in_dim3A_43 = vector.shape_cast %get3A_11 : vector<1024x1xf32> to vector<1x1024x1xf32>
    %mul3A_44 = vector.broadcast %broadcast_in_dim3A_43 : vector<1x1024x1xf32> to vector<4x1024x128xf32>
    %mul3A_45 = arith.mulf %bitcast_convert_type3A_8, %mul3A_44 : vector<4x1024x128xf32>
    %get3A_46 = arith.constant 0 : index
    %get3A_47 = arith.constant 0 : index
    %get3A_48 = vector.load %arg2[%get3A_46, %get3A_47] : memref<1024x4xf32, #tpu.memory_space<vmem>>, vector<1024x1xf32>
    %get3A_49 = arith.constant 0 : index
    %get3A_50 = arith.constant 0 : index
    %get3A_51 = vector.load %arg4[%get3A_49, %get3A_50] : memref<8x128xf32, #tpu.memory_space<vmem>>, vector<1x128xf32>
    %mul3A_52 = vector.broadcast %get3A_48 : vector<1024x1xf32> to vector<1024x128xf32>
    %mul3A_53 = vector.broadcast %get3A_51 : vector<1x128xf32> to vector<1024x128xf32>
    %mul3A_54 = arith.mulf %mul3A_52, %mul3A_53 : vector<1024x128xf32>
    %get3A_55 = arith.constant 0 : index
    %get3A_56 = arith.constant 1 : index
    %get3A_57 = vector.load %arg2[%get3A_55, %get3A_56] : memref<1024x4xf32, #tpu.memory_space<vmem>>, vector<1024x1xf32>
    %get3A_58 = arith.constant 1 : index
    %get3A_59 = arith.constant 0 : index
    %get3A_60 = vector.load %arg4[%get3A_58, %get3A_59] : memref<8x128xf32, #tpu.memory_space<vmem>>, vector<1x128xf32>
    %mul3A_61 = vector.broadcast %get3A_57 : vector<1024x1xf32> to vector<1024x128xf32>
    %mul3A_62 = vector.broadcast %get3A_60 : vector<1x128xf32> to vector<1024x128xf32>
    %mul3A_63 = arith.mulf %mul3A_61, %mul3A_62 : vector<1024x128xf32>
    %add3A_64 = arith.addf %mul3A_54, %mul3A_63 : vector<1024x128xf32>
    %get3A_65 = arith.constant 0 : index
    %get3A_66 = arith.constant 2 : index
    %get3A_67 = vector.load %arg2[%get3A_65, %get3A_66] : memref<1024x4xf32, #tpu.memory_space<vmem>>, vector<1024x1xf32>
    %get3A_68 = arith.constant 2 : index
    %get3A_69 = arith.constant 0 : index
    %get3A_70 = vector.load %arg4[%get3A_68, %get3A_69] : memref<8x128xf32, #tpu.memory_space<vmem>>, vector<1x128xf32>
    %mul3A_71 = vector.broadcast %get3A_67 : vector<1024x1xf32> to vector<1024x128xf32>
    %mul3A_72 = vector.broadcast %get3A_70 : vector<1x128xf32> to vector<1024x128xf32>
    %mul3A_73 = arith.mulf %mul3A_71, %mul3A_72 : vector<1024x128xf32>
    %add3A_74 = arith.addf %add3A_64, %mul3A_73 : vector<1024x128xf32>
    %broadcast_in_dim3A_75 = vector.shape_cast %add3A_74 : vector<1024x128xf32> to vector<1x1024x128xf32>
    %sub3A_76 = vector.broadcast %broadcast_in_dim3A_75 : vector<1x1024x128xf32> to vector<4x1024x128xf32>
    %sub3A_77 = arith.subf %mul3A_45, %sub3A_76 : vector<4x1024x128xf32>
    %reduce_sum3A = arith.constant dense<0.000000e+00> : vector<128xf32>
    %reduce_sum3A_78 = vector.multi_reduction <add>, %sub3A_42, %reduce_sum3A [0, 1] : vector<4x1024x128xf32> to vector<128xf32>
    %broadcast_in_dim3A_79 = vector.shape_cast %reduce_sum3A_78 : vector<128xf32> to vector<1x128xf32>
    %mul3A_80 = arith.mulf %sub3A_42, %sub3A_42 : vector<4x1024x128xf32>
    %reduce_sum3A_81 = arith.constant dense<0.000000e+00> : vector<128xf32>
    %reduce_sum3A_82 = vector.multi_reduction <add>, %mul3A_80, %reduce_sum3A_81 [0, 1] : vector<4x1024x128xf32> to vector<128xf32>
    %broadcast_in_dim3A_83 = vector.shape_cast %reduce_sum3A_82 : vector<128xf32> to vector<1x128xf32>
    %reduce_sum3A_84 = arith.constant dense<0.000000e+00> : vector<128xf32>
    %reduce_sum3A_85 = vector.multi_reduction <add>, %sub3A_77, %reduce_sum3A_84 [0, 1] : vector<4x1024x128xf32> to vector<128xf32>
    %broadcast_in_dim3A_86 = vector.shape_cast %reduce_sum3A_85 : vector<128xf32> to vector<1x128xf32>
    %mul3A_87 = arith.mulf %sub3A_77, %sub3A_77 : vector<4x1024x128xf32>
    %reduce_sum3A_88 = arith.constant dense<0.000000e+00> : vector<128xf32>
    %reduce_sum3A_89 = vector.multi_reduction <add>, %mul3A_87, %reduce_sum3A_88 [0, 1] : vector<4x1024x128xf32> to vector<128xf32>
    %broadcast_in_dim3A_90 = vector.shape_cast %reduce_sum3A_89 : vector<128xf32> to vector<1x128xf32>
    %broadcast_in_dim3A_91 = arith.constant 0.000000e+00 : f32
    %broadcast_in_dim3A_92 = vector.broadcast %broadcast_in_dim3A_91 : f32 to vector<4x128xf32>
    %concatenate3A = tpu.concatenate %broadcast_in_dim3A_79, %broadcast_in_dim3A_83, %broadcast_in_dim3A_86, %broadcast_in_dim3A_90, %broadcast_in_dim3A_92 in 0 : vector<1x128xf32>, vector<1x128xf32>, vector<1x128xf32>, vector<1x128xf32>, vector<4x128xf32> -> vector<8x128xf32>
    %eq3A = arith.constant 0 : i32
    %eq3A_93 = arith.cmpi eq, %arg0, %eq3A : i32
    %convert_element_type3A = arith.extui %eq3A_93 : i1 to i32
    %cond3A = arith.constant 0 : i32
    %cond3A_94 = arith.cmpi ne, %convert_element_type3A, %cond3A : i32
    scf.if %cond3A_94 {
      %broadcast_in_dim3A_101 = arith.constant 0.000000e+00 : f32
      %broadcast_in_dim3A_102 = vector.broadcast %broadcast_in_dim3A_101 : f32 to vector<8x128xf32>
      %swap3A_103 = arith.constant 0 : index
      %swap3A_104 = arith.constant 0 : index
      %swap3A_105 = vector.load %arg5[%swap3A_103, %swap3A_104] : memref<8x128xf32, #tpu.memory_space<vmem>>, vector<8x128xf32>
      tpu.vector_store %arg5[%swap3A_103, %swap3A_104], %broadcast_in_dim3A_102 {strides = array<i32>} : memref<8x128xf32, #tpu.memory_space<vmem>>, vector<8x128xf32>,
    } else {
    }
    %get3A_95 = arith.constant 0 : index
    %get3A_96 = arith.constant 0 : index
    %get3A_97 = vector.load %arg5[%get3A_95, %get3A_96] : memref<8x128xf32, #tpu.memory_space<vmem>>, vector<8x128xf32>
    %add3A_98 = arith.addf %get3A_97, %concatenate3A : vector<8x128xf32>
    %swap3A = arith.constant 0 : index
    %swap3A_99 = arith.constant 0 : index
    %swap3A_100 = vector.load %arg5[%swap3A, %swap3A_99] : memref<8x128xf32, #tpu.memory_space<vmem>>, vector<8x128xf32>
    tpu.vector_store %arg5[%swap3A, %swap3A_99], %add3A_98 {strides = array<i32>} : memref<8x128xf32, #tpu.memory_space<vmem>>, vector<8x128xf32>,
    return
  }
  func.func @transform_0(%arg0: i32) -> (i32, i32, i32) {
    %c0_i32 = arith.constant 0 : i32
    %c0_i32_0 = arith.constant 0 : i32
    %c0_i32_1 = arith.constant 0 : i32
    return %c0_i32, %arg0, %c0_i32_0 : i32, i32, i32
  }
  func.func @transform_1(%arg0: i32) -> (i32, i32) {
    %c0_i32 = arith.constant 0 : i32
    %c0_i32_0 = arith.constant 0 : i32
    return %arg0, %c0_i32 : i32, i32
  }
  func.func @transform_2(%arg0: i32) -> (i32, i32) {
    %c0_i32 = arith.constant 0 : i32
    %c0_i32_0 = arith.constant 0 : i32
    %c0_i32_1 = arith.constant 0 : i32
    return %c0_i32, %c0_i32_0 : i32, i32
  }
  func.func @transform_3(%arg0: i32) -> (i32, i32) {
    %c0_i32 = arith.constant 0 : i32
    %c0_i32_0 = arith.constant 0 : i32
    %c0_i32_1 = arith.constant 0 : i32
    return %c0_i32, %c0_i32_0 : i32, i32
  }
  func.func @transform_4(%arg0: i32) -> (i32, i32) {
    %c0_i32 = arith.constant 0 : i32
    %c0_i32_0 = arith.constant 0 : i32
    %c0_i32_1 = arith.constant 0 : i32
    return %c0_i32, %c0_i32_0 : i32, i32
  }
}

module attributes {stable_mosaic.version = 14 : i64} {
  func.func @body(%arg0: i32, %arg1: memref<4x1024x128xi32, #tpu.memory_space<vmem>>, %arg2: memref<1024x4xf32, #tpu.memory_space<vmem>>, %arg3: memref<8x128xf32, #tpu.memory_space<vmem>>, %arg4: memref<8x128xf32, #tpu.memory_space<vmem>>, %arg5: memref<8x128xf32, #tpu.memory_space<vmem>>, %arg6: memref<256x256xbf16, #tpu.memory_space<vmem>>, %arg7: memref<1024x64xf32, #tpu.memory_space<vmem>>, %arg8: memref<8x256xf32, #tpu.memory_space<vmem>>) attributes {dimension_semantics = [#tpu.dimension_semantics<arbitrary>], iteration_bounds = array<i64: 32>, scalar_prefetch = 0 : i64, scratch_operands = 0 : i64, tpu.core_type = #tpu.core_type<tc>, window_params = [{transform_indices = @transform_0, window_bounds = array<i64: 4, 1024, 128>}, {transform_indices = @transform_1, window_bounds = array<i64: 1024, 4>}, {pipeline_mode = #tpu.pipeline_mode<synchronous>, transform_indices = @transform_2, window_bounds = array<i64: 8, 128>}, {pipeline_mode = #tpu.pipeline_mode<synchronous>, transform_indices = @transform_3, window_bounds = array<i64: 8, 128>}, {pipeline_mode = #tpu.pipeline_mode<synchronous>, transform_indices = @transform_4, window_bounds = array<i64: 8, 128>}, {pipeline_mode = #tpu.pipeline_mode<synchronous>, transform_indices = @transform_5, window_bounds = array<i64: 256, 256>}, {transform_indices = @transform_6, window_bounds = array<i64: 1024, 64>}, {pipeline_mode = #tpu.pipeline_mode<synchronous>, transform_indices = @transform_7, window_bounds = array<i64: 8, 256>}]} {
    %get3A = arith.constant 0 : index
    %get3A_0 = arith.constant 0 : index
    %get3A_1 = arith.constant 0 : index
    %get3A_2 = vector.load %arg1[%get3A, %get3A_0, %get3A_1] : memref<4x1024x128xi32, #tpu.memory_space<vmem>>, vector<4x1024x128xi32>
    %bitcast_convert_type3A = tpu.bitcast %get3A_2 : vector<4x1024x128xi32> -> vector<4x1024x128xi32>
    %shift_left3A = arith.constant 16 : i32
    %shift_left3A_3 = vector.broadcast %shift_left3A : i32 to vector<4x1024x128xi32>
    %shift_left3A_4 = arith.shli %bitcast_convert_type3A, %shift_left3A_3 : vector<4x1024x128xi32>
    %bitcast_convert_type3A_5 = tpu.bitcast %shift_left3A_4 : vector<4x1024x128xi32> -> vector<4x1024x128xf32>
    %and3A = arith.constant -65536 : i32
    %and3A_6 = vector.broadcast %and3A : i32 to vector<4x1024x128xi32>
    %and3A_7 = arith.andi %bitcast_convert_type3A, %and3A_6 : vector<4x1024x128xi32>
    %bitcast_convert_type3A_8 = tpu.bitcast %and3A_7 : vector<4x1024x128xi32> -> vector<4x1024x128xf32>
    %get3A_9 = arith.constant 0 : index
    %get3A_10 = arith.constant 3 : index
    %get3A_11 = vector.load %arg2[%get3A_9, %get3A_10] : memref<1024x4xf32, #tpu.memory_space<vmem>>, vector<1024x1xf32>
    %broadcast_in_dim3A = vector.shape_cast %get3A_11 : vector<1024x1xf32> to vector<1x1024x1xf32>
    %mul3A = vector.broadcast %broadcast_in_dim3A : vector<1x1024x1xf32> to vector<4x1024x128xf32>
    %mul3A_12 = arith.mulf %bitcast_convert_type3A_5, %mul3A : vector<4x1024x128xf32>
    %get3A_13 = arith.constant 0 : index
    %get3A_14 = arith.constant 0 : index
    %get3A_15 = vector.load %arg2[%get3A_13, %get3A_14] : memref<1024x4xf32, #tpu.memory_space<vmem>>, vector<1024x1xf32>
    %get3A_16 = arith.constant 0 : index
    %get3A_17 = arith.constant 0 : index
    %get3A_18 = vector.load %arg3[%get3A_16, %get3A_17] : memref<8x128xf32, #tpu.memory_space<vmem>>, vector<1x128xf32>
    %mul3A_19 = vector.broadcast %get3A_15 : vector<1024x1xf32> to vector<1024x128xf32>
    %mul3A_20 = vector.broadcast %get3A_18 : vector<1x128xf32> to vector<1024x128xf32>
    %mul3A_21 = arith.mulf %mul3A_19, %mul3A_20 : vector<1024x128xf32>
    %get3A_22 = arith.constant 0 : index
    %get3A_23 = arith.constant 1 : index
    %get3A_24 = vector.load %arg2[%get3A_22, %get3A_23] : memref<1024x4xf32, #tpu.memory_space<vmem>>, vector<1024x1xf32>
    %get3A_25 = arith.constant 1 : index
    %get3A_26 = arith.constant 0 : index
    %get3A_27 = vector.load %arg3[%get3A_25, %get3A_26] : memref<8x128xf32, #tpu.memory_space<vmem>>, vector<1x128xf32>
    %mul3A_28 = vector.broadcast %get3A_24 : vector<1024x1xf32> to vector<1024x128xf32>
    %mul3A_29 = vector.broadcast %get3A_27 : vector<1x128xf32> to vector<1024x128xf32>
    %mul3A_30 = arith.mulf %mul3A_28, %mul3A_29 : vector<1024x128xf32>
    %add3A = arith.addf %mul3A_21, %mul3A_30 : vector<1024x128xf32>
    %get3A_31 = arith.constant 0 : index
    %get3A_32 = arith.constant 2 : index
    %get3A_33 = vector.load %arg2[%get3A_31, %get3A_32] : memref<1024x4xf32, #tpu.memory_space<vmem>>, vector<1024x1xf32>
    %get3A_34 = arith.constant 2 : index
    %get3A_35 = arith.constant 0 : index
    %get3A_36 = vector.load %arg3[%get3A_34, %get3A_35] : memref<8x128xf32, #tpu.memory_space<vmem>>, vector<1x128xf32>
    %mul3A_37 = vector.broadcast %get3A_33 : vector<1024x1xf32> to vector<1024x128xf32>
    %mul3A_38 = vector.broadcast %get3A_36 : vector<1x128xf32> to vector<1024x128xf32>
    %mul3A_39 = arith.mulf %mul3A_37, %mul3A_38 : vector<1024x128xf32>
    %add3A_40 = arith.addf %add3A, %mul3A_39 : vector<1024x128xf32>
    %broadcast_in_dim3A_41 = vector.shape_cast %add3A_40 : vector<1024x128xf32> to vector<1x1024x128xf32>
    %sub3A = vector.broadcast %broadcast_in_dim3A_41 : vector<1x1024x128xf32> to vector<4x1024x128xf32>
    %sub3A_42 = arith.subf %mul3A_12, %sub3A : vector<4x1024x128xf32>
    %broadcast_in_dim3A_43 = vector.shape_cast %get3A_11 : vector<1024x1xf32> to vector<1x1024x1xf32>
    %mul3A_44 = vector.broadcast %broadcast_in_dim3A_43 : vector<1x1024x1xf32> to vector<4x1024x128xf32>
    %mul3A_45 = arith.mulf %bitcast_convert_type3A_8, %mul3A_44 : vector<4x1024x128xf32>
    %get3A_46 = arith.constant 0 : index
    %get3A_47 = arith.constant 0 : index
    %get3A_48 = vector.load %arg2[%get3A_46, %get3A_47] : memref<1024x4xf32, #tpu.memory_space<vmem>>, vector<1024x1xf32>
    %get3A_49 = arith.constant 0 : index
    %get3A_50 = arith.constant 0 : index
    %get3A_51 = vector.load %arg4[%get3A_49, %get3A_50] : memref<8x128xf32, #tpu.memory_space<vmem>>, vector<1x128xf32>
    %mul3A_52 = vector.broadcast %get3A_48 : vector<1024x1xf32> to vector<1024x128xf32>
    %mul3A_53 = vector.broadcast %get3A_51 : vector<1x128xf32> to vector<1024x128xf32>
    %mul3A_54 = arith.mulf %mul3A_52, %mul3A_53 : vector<1024x128xf32>
    %get3A_55 = arith.constant 0 : index
    %get3A_56 = arith.constant 1 : index
    %get3A_57 = vector.load %arg2[%get3A_55, %get3A_56] : memref<1024x4xf32, #tpu.memory_space<vmem>>, vector<1024x1xf32>
    %get3A_58 = arith.constant 1 : index
    %get3A_59 = arith.constant 0 : index
    %get3A_60 = vector.load %arg4[%get3A_58, %get3A_59] : memref<8x128xf32, #tpu.memory_space<vmem>>, vector<1x128xf32>
    %mul3A_61 = vector.broadcast %get3A_57 : vector<1024x1xf32> to vector<1024x128xf32>
    %mul3A_62 = vector.broadcast %get3A_60 : vector<1x128xf32> to vector<1024x128xf32>
    %mul3A_63 = arith.mulf %mul3A_61, %mul3A_62 : vector<1024x128xf32>
    %add3A_64 = arith.addf %mul3A_54, %mul3A_63 : vector<1024x128xf32>
    %get3A_65 = arith.constant 0 : index
    %get3A_66 = arith.constant 2 : index
    %get3A_67 = vector.load %arg2[%get3A_65, %get3A_66] : memref<1024x4xf32, #tpu.memory_space<vmem>>, vector<1024x1xf32>
    %get3A_68 = arith.constant 2 : index
    %get3A_69 = arith.constant 0 : index
    %get3A_70 = vector.load %arg4[%get3A_68, %get3A_69] : memref<8x128xf32, #tpu.memory_space<vmem>>, vector<1x128xf32>
    %mul3A_71 = vector.broadcast %get3A_67 : vector<1024x1xf32> to vector<1024x128xf32>
    %mul3A_72 = vector.broadcast %get3A_70 : vector<1x128xf32> to vector<1024x128xf32>
    %mul3A_73 = arith.mulf %mul3A_71, %mul3A_72 : vector<1024x128xf32>
    %add3A_74 = arith.addf %add3A_64, %mul3A_73 : vector<1024x128xf32>
    %broadcast_in_dim3A_75 = vector.shape_cast %add3A_74 : vector<1024x128xf32> to vector<1x1024x128xf32>
    %sub3A_76 = vector.broadcast %broadcast_in_dim3A_75 : vector<1x1024x128xf32> to vector<4x1024x128xf32>
    %sub3A_77 = arith.subf %mul3A_45, %sub3A_76 : vector<4x1024x128xf32>
    %get3A_78 = arith.constant 0 : index
    %get3A_79 = arith.constant 0 : index
    %get3A_80 = vector.load %arg5[%get3A_78, %get3A_79] : memref<8x128xf32, #tpu.memory_space<vmem>>, vector<1x128xf32>
    %broadcast_in_dim3A_81 = vector.shape_cast %get3A_80 : vector<1x128xf32> to vector<1x1x128xf32>
    %sub3A_82 = vector.broadcast %broadcast_in_dim3A_81 : vector<1x1x128xf32> to vector<4x1024x128xf32>
    %sub3A_83 = arith.subf %sub3A_42, %sub3A_82 : vector<4x1024x128xf32>
    %get3A_84 = arith.constant 2 : index
    %get3A_85 = arith.constant 0 : index
    %get3A_86 = vector.load %arg5[%get3A_84, %get3A_85] : memref<8x128xf32, #tpu.memory_space<vmem>>, vector<1x128xf32>
    %broadcast_in_dim3A_87 = vector.shape_cast %get3A_86 : vector<1x128xf32> to vector<1x1x128xf32>
    %mul3A_88 = vector.broadcast %broadcast_in_dim3A_87 : vector<1x1x128xf32> to vector<4x1024x128xf32>
    %mul3A_89 = arith.mulf %sub3A_83, %mul3A_88 : vector<4x1024x128xf32>
    %max3A = arith.constant 0.000000e+00 : f32
    %max3A_90 = vector.broadcast %max3A : f32 to vector<4x1024x128xf32>
    %max3A_91 = arith.maximumf %mul3A_89, %max3A_90 : vector<4x1024x128xf32>
    %get3A_92 = arith.constant 1 : index
    %get3A_93 = arith.constant 0 : index
    %get3A_94 = vector.load %arg5[%get3A_92, %get3A_93] : memref<8x128xf32, #tpu.memory_space<vmem>>, vector<1x128xf32>
    %broadcast_in_dim3A_95 = vector.shape_cast %get3A_94 : vector<1x128xf32> to vector<1x1x128xf32>
    %sub3A_96 = vector.broadcast %broadcast_in_dim3A_95 : vector<1x1x128xf32> to vector<4x1024x128xf32>
    %sub3A_97 = arith.subf %sub3A_77, %sub3A_96 : vector<4x1024x128xf32>
    %get3A_98 = arith.constant 3 : index
    %get3A_99 = arith.constant 0 : index
    %get3A_100 = vector.load %arg5[%get3A_98, %get3A_99] : memref<8x128xf32, #tpu.memory_space<vmem>>, vector<1x128xf32>
    %broadcast_in_dim3A_101 = vector.shape_cast %get3A_100 : vector<1x128xf32> to vector<1x1x128xf32>
    %mul3A_102 = vector.broadcast %broadcast_in_dim3A_101 : vector<1x1x128xf32> to vector<4x1024x128xf32>
    %mul3A_103 = arith.mulf %sub3A_97, %mul3A_102 : vector<4x1024x128xf32>
    %max3A_104 = arith.constant 0.000000e+00 : f32
    %max3A_105 = vector.broadcast %max3A_104 : f32 to vector<4x1024x128xf32>
    %max3A_106 = arith.maximumf %mul3A_103, %max3A_105 : vector<4x1024x128xf32>
    %concatenate3A = tpu.concatenate %max3A_91, %max3A_106 in 2 : vector<4x1024x128xf32>, vector<4x1024x128xf32> -> vector<4x1024x256xf32>
    %convert_element_type3A = arith.truncf %concatenate3A : vector<4x1024x256xf32> to vector<4x1024x256xbf16>
    %reshape3A = vector.shape_cast %convert_element_type3A : vector<4x1024x256xbf16> to vector<4096x256xbf16>
    %get3A_107 = arith.constant 0 : index
    %get3A_108 = arith.constant 0 : index
    %get3A_109 = vector.load %arg6[%get3A_107, %get3A_108] : memref<256x256xbf16, #tpu.memory_space<vmem>>, vector<256x256xbf16>
    %dot_general3A = arith.constant dense<0.000000e+00> : vector<4096x256xf32>
    %dot_general3A_110 = tpu.matmul %reshape3A, %get3A_109, %dot_general3A {dimension_numbers = #tpu.dot_dimension_numbers<[1], [0], [0], [1], [0, 0, 1, 1], [], []>, transpose_lhs_hint = false} : vector<4096x256xbf16>, vector<256x256xbf16>, vector<4096x256xf32> -> vector<4096x256xf32>
    %reduce_sum3A = arith.constant dense<0.000000e+00> : vector<256xf32>
    %reduce_sum3A_111 = vector.multi_reduction <add>, %dot_general3A_110, %reduce_sum3A [0] : vector<4096x256xf32> to vector<256xf32>
    %broadcast_in_dim3A_112 = vector.shape_cast %reduce_sum3A_111 : vector<256xf32> to vector<1x256xf32>
    %mul3A_113 = arith.mulf %dot_general3A_110, %dot_general3A_110 : vector<4096x256xf32>
    %reduce_sum3A_114 = arith.constant dense<0.000000e+00> : vector<256xf32>
    %reduce_sum3A_115 = vector.multi_reduction <add>, %mul3A_113, %reduce_sum3A_114 [0] : vector<4096x256xf32> to vector<256xf32>
    %broadcast_in_dim3A_116 = vector.shape_cast %reduce_sum3A_115 : vector<256xf32> to vector<1x256xf32>
    %broadcast_in_dim3A_117 = arith.constant 0.000000e+00 : f32
    %broadcast_in_dim3A_118 = vector.broadcast %broadcast_in_dim3A_117 : f32 to vector<6x256xf32>
    %concatenate3A_119 = tpu.concatenate %broadcast_in_dim3A_112, %broadcast_in_dim3A_116, %broadcast_in_dim3A_118 in 0 : vector<1x256xf32>, vector<1x256xf32>, vector<6x256xf32> -> vector<8x256xf32>
    %eq3A = arith.constant 0 : i32
    %eq3A_120 = arith.cmpi eq, %arg0, %eq3A : i32
    %convert_element_type3A_121 = arith.extui %eq3A_120 : i1 to i32
    %cond3A = arith.constant 0 : i32
    %cond3A_122 = arith.cmpi ne, %convert_element_type3A_121, %cond3A : i32
    scf.if %cond3A_122 {
      %broadcast_in_dim3A_140 = arith.constant 0.000000e+00 : f32
      %broadcast_in_dim3A_141 = vector.broadcast %broadcast_in_dim3A_140 : f32 to vector<8x256xf32>
      %swap3A_142 = arith.constant 0 : index
      %swap3A_143 = arith.constant 0 : index
      %swap3A_144 = vector.load %arg8[%swap3A_142, %swap3A_143] : memref<8x256xf32, #tpu.memory_space<vmem>>, vector<8x256xf32>
      tpu.vector_store %arg8[%swap3A_142, %swap3A_143], %broadcast_in_dim3A_141 {strides = array<i32>} : memref<8x256xf32, #tpu.memory_space<vmem>>, vector<8x256xf32>,
    } else {
    }
    %get3A_123 = arith.constant 0 : index
    %get3A_124 = arith.constant 0 : index
    %get3A_125 = vector.load %arg8[%get3A_123, %get3A_124] : memref<8x256xf32, #tpu.memory_space<vmem>>, vector<8x256xf32>
    %add3A_126 = arith.addf %get3A_125, %concatenate3A_119 : vector<8x256xf32>
    %swap3A = arith.constant 0 : index
    %swap3A_127 = arith.constant 0 : index
    %swap3A_128 = vector.load %arg8[%swap3A, %swap3A_127] : memref<8x256xf32, #tpu.memory_space<vmem>>, vector<8x256xf32>
    tpu.vector_store %arg8[%swap3A, %swap3A_127], %add3A_126 {strides = array<i32>} : memref<8x256xf32, #tpu.memory_space<vmem>>, vector<8x256xf32>,
    %reshape3A_129 = vector.shape_cast %dot_general3A_110 : vector<4096x256xf32> to vector<4x1024x256xf32>
    %reduce_max3A = arith.constant dense<0xFF800000> : vector<1024x256xf32>
    %reduce_max3A_130 = vector.multi_reduction <maximumf>, %reshape3A_129, %reduce_max3A [0] : vector<4x1024x256xf32> to vector<1024x256xf32>
    %slice3A = vector.extract_strided_slice %reduce_max3A_130 {offsets = [0, 0], sizes = [1024, 64], strides = [1, 1]} : vector<1024x256xf32> to vector<1024x64xf32>
    %slice3A_131 = vector.extract_strided_slice %reduce_max3A_130 {offsets = [0, 64], sizes = [1024, 64], strides = [1, 1]} : vector<1024x256xf32> to vector<1024x64xf32>
    %max3A_132 = arith.maximumf %slice3A, %slice3A_131 : vector<1024x64xf32>
    %slice3A_133 = vector.extract_strided_slice %reduce_max3A_130 {offsets = [0, 128], sizes = [1024, 64], strides = [1, 1]} : vector<1024x256xf32> to vector<1024x64xf32>
    %slice3A_134 = vector.extract_strided_slice %reduce_max3A_130 {offsets = [0, 192], sizes = [1024, 64], strides = [1, 1]} : vector<1024x256xf32> to vector<1024x64xf32>
    %max3A_135 = arith.maximumf %slice3A_133, %slice3A_134 : vector<1024x64xf32>
    %max3A_136 = arith.maximumf %max3A_132, %max3A_135 : vector<1024x64xf32>
    %swap3A_137 = arith.constant 0 : index
    %swap3A_138 = arith.constant 0 : index
    %swap3A_139 = vector.load %arg7[%swap3A_137, %swap3A_138] : memref<1024x64xf32, #tpu.memory_space<vmem>>, vector<1024x64xf32>
    tpu.vector_store %arg7[%swap3A_137, %swap3A_138], %max3A_136 {strides = array<i32>} : memref<1024x64xf32, #tpu.memory_space<vmem>>, vector<1024x64xf32>,
    return
  }
  func.func @transform_0(%arg0: i32) -> (i32, i32, i32) {
    %c0_i32 = arith.constant 0 : i32
    %c0_i32_0 = arith.constant 0 : i32
    %c0_i32_1 = arith.constant 0 : i32
    return %c0_i32, %arg0, %c0_i32_0 : i32, i32, i32
  }
  func.func @transform_1(%arg0: i32) -> (i32, i32) {
    %c0_i32 = arith.constant 0 : i32
    %c0_i32_0 = arith.constant 0 : i32
    return %arg0, %c0_i32 : i32, i32
  }
  func.func @transform_2(%arg0: i32) -> (i32, i32) {
    %c0_i32 = arith.constant 0 : i32
    %c0_i32_0 = arith.constant 0 : i32
    %c0_i32_1 = arith.constant 0 : i32
    return %c0_i32, %c0_i32_0 : i32, i32
  }
  func.func @transform_3(%arg0: i32) -> (i32, i32) {
    %c0_i32 = arith.constant 0 : i32
    %c0_i32_0 = arith.constant 0 : i32
    %c0_i32_1 = arith.constant 0 : i32
    return %c0_i32, %c0_i32_0 : i32, i32
  }
  func.func @transform_4(%arg0: i32) -> (i32, i32) {
    %c0_i32 = arith.constant 0 : i32
    %c0_i32_0 = arith.constant 0 : i32
    %c0_i32_1 = arith.constant 0 : i32
    return %c0_i32, %c0_i32_0 : i32, i32
  }
  func.func @transform_5(%arg0: i32) -> (i32, i32) {
    %c0_i32 = arith.constant 0 : i32
    %c0_i32_0 = arith.constant 0 : i32
    %c0_i32_1 = arith.constant 0 : i32
    return %c0_i32, %c0_i32_0 : i32, i32
  }
  func.func @transform_6(%arg0: i32) -> (i32, i32) {
    %c0_i32 = arith.constant 0 : i32
    %c0_i32_0 = arith.constant 0 : i32
    return %arg0, %c0_i32 : i32, i32
  }
  func.func @transform_7(%arg0: i32) -> (i32, i32) {
    %c0_i32 = arith.constant 0 : i32
    %c0_i32_0 = arith.constant 0 : i32
    %c0_i32_1 = arith.constant 0 : i32
    return %c0_i32, %c0_i32_0 : i32, i32
  }
}

module attributes {stable_mosaic.version = 14 : i64} {
  func.func @_stats1_body(%arg0: i32, %arg1: memref<8x512x128xi32, #tpu.memory_space<vmem>>, %arg2: memref<512x4xf32, #tpu.memory_space<vmem>>, %arg3: memref<8x128xf32, #tpu.memory_space<vmem>>, %arg4: memref<8x128xf32, #tpu.memory_space<vmem>>, %arg5: memref<8x128xf32, #tpu.memory_space<vmem>>) attributes {dimension_semantics = [#tpu.dimension_semantics<arbitrary>], iteration_bounds = array<i64: 64>, scalar_prefetch = 0 : i64, scratch_operands = 0 : i64, tpu.core_type = #tpu.core_type<tc>, window_params = [{transform_indices = @transform_0, window_bounds = array<i64: 8, 512, 128>}, {transform_indices = @transform_1, window_bounds = array<i64: 512, 4>}, {pipeline_mode = #tpu.pipeline_mode<synchronous>, transform_indices = @transform_2, window_bounds = array<i64: 8, 128>}, {pipeline_mode = #tpu.pipeline_mode<synchronous>, transform_indices = @transform_3, window_bounds = array<i64: 8, 128>}, {pipeline_mode = #tpu.pipeline_mode<synchronous>, transform_indices = @transform_4, window_bounds = array<i64: 8, 128>}]} {
    %get3A = arith.constant 0 : index
    %get3A_0 = arith.constant 0 : index
    %get3A_1 = arith.constant 0 : index
    %get3A_2 = vector.load %arg1[%get3A, %get3A_0, %get3A_1] : memref<8x512x128xi32, #tpu.memory_space<vmem>>, vector<8x512x128xi32>
    %bitcast_convert_type3A = tpu.bitcast %get3A_2 : vector<8x512x128xi32> -> vector<8x512x128xi32>
    %shift_left3A = arith.constant 16 : i32
    %shift_left3A_3 = vector.broadcast %shift_left3A : i32 to vector<8x512x128xi32>
    %shift_left3A_4 = arith.shli %bitcast_convert_type3A, %shift_left3A_3 : vector<8x512x128xi32>
    %bitcast_convert_type3A_5 = tpu.bitcast %shift_left3A_4 : vector<8x512x128xi32> -> vector<8x512x128xf32>
    %and3A = arith.constant -65536 : i32
    %and3A_6 = vector.broadcast %and3A : i32 to vector<8x512x128xi32>
    %and3A_7 = arith.andi %bitcast_convert_type3A, %and3A_6 : vector<8x512x128xi32>
    %bitcast_convert_type3A_8 = tpu.bitcast %and3A_7 : vector<8x512x128xi32> -> vector<8x512x128xf32>
    %get3A_9 = arith.constant 0 : index
    %get3A_10 = arith.constant 3 : index
    %get3A_11 = vector.load %arg2[%get3A_9, %get3A_10] : memref<512x4xf32, #tpu.memory_space<vmem>>, vector<512x1xf32>
    %broadcast_in_dim3A = vector.shape_cast %get3A_11 : vector<512x1xf32> to vector<1x512x1xf32>
    %mul3A = vector.broadcast %broadcast_in_dim3A : vector<1x512x1xf32> to vector<8x512x128xf32>
    %mul3A_12 = arith.mulf %bitcast_convert_type3A_5, %mul3A : vector<8x512x128xf32>
    %get3A_13 = arith.constant 0 : index
    %get3A_14 = arith.constant 0 : index
    %get3A_15 = vector.load %arg2[%get3A_13, %get3A_14] : memref<512x4xf32, #tpu.memory_space<vmem>>, vector<512x1xf32>
    %get3A_16 = arith.constant 0 : index
    %get3A_17 = arith.constant 0 : index
    %get3A_18 = vector.load %arg3[%get3A_16, %get3A_17] : memref<8x128xf32, #tpu.memory_space<vmem>>, vector<1x128xf32>
    %mul3A_19 = vector.broadcast %get3A_15 : vector<512x1xf32> to vector<512x128xf32>
    %mul3A_20 = vector.broadcast %get3A_18 : vector<1x128xf32> to vector<512x128xf32>
    %mul3A_21 = arith.mulf %mul3A_19, %mul3A_20 : vector<512x128xf32>
    %get3A_22 = arith.constant 0 : index
    %get3A_23 = arith.constant 1 : index
    %get3A_24 = vector.load %arg2[%get3A_22, %get3A_23] : memref<512x4xf32, #tpu.memory_space<vmem>>, vector<512x1xf32>
    %get3A_25 = arith.constant 1 : index
    %get3A_26 = arith.constant 0 : index
    %get3A_27 = vector.load %arg3[%get3A_25, %get3A_26] : memref<8x128xf32, #tpu.memory_space<vmem>>, vector<1x128xf32>
    %mul3A_28 = vector.broadcast %get3A_24 : vector<512x1xf32> to vector<512x128xf32>
    %mul3A_29 = vector.broadcast %get3A_27 : vector<1x128xf32> to vector<512x128xf32>
    %mul3A_30 = arith.mulf %mul3A_28, %mul3A_29 : vector<512x128xf32>
    %add3A = arith.addf %mul3A_21, %mul3A_30 : vector<512x128xf32>
    %get3A_31 = arith.constant 0 : index
    %get3A_32 = arith.constant 2 : index
    %get3A_33 = vector.load %arg2[%get3A_31, %get3A_32] : memref<512x4xf32, #tpu.memory_space<vmem>>, vector<512x1xf32>
    %get3A_34 = arith.constant 2 : index
    %get3A_35 = arith.constant 0 : index
    %get3A_36 = vector.load %arg3[%get3A_34, %get3A_35] : memref<8x128xf32, #tpu.memory_space<vmem>>, vector<1x128xf32>
    %mul3A_37 = vector.broadcast %get3A_33 : vector<512x1xf32> to vector<512x128xf32>
    %mul3A_38 = vector.broadcast %get3A_36 : vector<1x128xf32> to vector<512x128xf32>
    %mul3A_39 = arith.mulf %mul3A_37, %mul3A_38 : vector<512x128xf32>
    %add3A_40 = arith.addf %add3A, %mul3A_39 : vector<512x128xf32>
    %broadcast_in_dim3A_41 = vector.shape_cast %add3A_40 : vector<512x128xf32> to vector<1x512x128xf32>
    %sub3A = vector.broadcast %broadcast_in_dim3A_41 : vector<1x512x128xf32> to vector<8x512x128xf32>
    %sub3A_42 = arith.subf %mul3A_12, %sub3A : vector<8x512x128xf32>
    %broadcast_in_dim3A_43 = vector.shape_cast %get3A_11 : vector<512x1xf32> to vector<1x512x1xf32>
    %mul3A_44 = vector.broadcast %broadcast_in_dim3A_43 : vector<1x512x1xf32> to vector<8x512x128xf32>
    %mul3A_45 = arith.mulf %bitcast_convert_type3A_8, %mul3A_44 : vector<8x512x128xf32>
    %get3A_46 = arith.constant 0 : index
    %get3A_47 = arith.constant 0 : index
    %get3A_48 = vector.load %arg2[%get3A_46, %get3A_47] : memref<512x4xf32, #tpu.memory_space<vmem>>, vector<512x1xf32>
    %get3A_49 = arith.constant 0 : index
    %get3A_50 = arith.constant 0 : index
    %get3A_51 = vector.load %arg4[%get3A_49, %get3A_50] : memref<8x128xf32, #tpu.memory_space<vmem>>, vector<1x128xf32>
    %mul3A_52 = vector.broadcast %get3A_48 : vector<512x1xf32> to vector<512x128xf32>
    %mul3A_53 = vector.broadcast %get3A_51 : vector<1x128xf32> to vector<512x128xf32>
    %mul3A_54 = arith.mulf %mul3A_52, %mul3A_53 : vector<512x128xf32>
    %get3A_55 = arith.constant 0 : index
    %get3A_56 = arith.constant 1 : index
    %get3A_57 = vector.load %arg2[%get3A_55, %get3A_56] : memref<512x4xf32, #tpu.memory_space<vmem>>, vector<512x1xf32>
    %get3A_58 = arith.constant 1 : index
    %get3A_59 = arith.constant 0 : index
    %get3A_60 = vector.load %arg4[%get3A_58, %get3A_59] : memref<8x128xf32, #tpu.memory_space<vmem>>, vector<1x128xf32>
    %mul3A_61 = vector.broadcast %get3A_57 : vector<512x1xf32> to vector<512x128xf32>
    %mul3A_62 = vector.broadcast %get3A_60 : vector<1x128xf32> to vector<512x128xf32>
    %mul3A_63 = arith.mulf %mul3A_61, %mul3A_62 : vector<512x128xf32>
    %add3A_64 = arith.addf %mul3A_54, %mul3A_63 : vector<512x128xf32>
    %get3A_65 = arith.constant 0 : index
    %get3A_66 = arith.constant 2 : index
    %get3A_67 = vector.load %arg2[%get3A_65, %get3A_66] : memref<512x4xf32, #tpu.memory_space<vmem>>, vector<512x1xf32>
    %get3A_68 = arith.constant 2 : index
    %get3A_69 = arith.constant 0 : index
    %get3A_70 = vector.load %arg4[%get3A_68, %get3A_69] : memref<8x128xf32, #tpu.memory_space<vmem>>, vector<1x128xf32>
    %mul3A_71 = vector.broadcast %get3A_67 : vector<512x1xf32> to vector<512x128xf32>
    %mul3A_72 = vector.broadcast %get3A_70 : vector<1x128xf32> to vector<512x128xf32>
    %mul3A_73 = arith.mulf %mul3A_71, %mul3A_72 : vector<512x128xf32>
    %add3A_74 = arith.addf %add3A_64, %mul3A_73 : vector<512x128xf32>
    %broadcast_in_dim3A_75 = vector.shape_cast %add3A_74 : vector<512x128xf32> to vector<1x512x128xf32>
    %sub3A_76 = vector.broadcast %broadcast_in_dim3A_75 : vector<1x512x128xf32> to vector<8x512x128xf32>
    %sub3A_77 = arith.subf %mul3A_45, %sub3A_76 : vector<8x512x128xf32>
    %reduce_sum3A = arith.constant dense<0.000000e+00> : vector<128xf32>
    %reduce_sum3A_78 = vector.multi_reduction <add>, %sub3A_42, %reduce_sum3A [0, 1] : vector<8x512x128xf32> to vector<128xf32>
    %broadcast_in_dim3A_79 = vector.shape_cast %reduce_sum3A_78 : vector<128xf32> to vector<1x128xf32>
    %mul3A_80 = arith.mulf %sub3A_42, %sub3A_42 : vector<8x512x128xf32>
    %reduce_sum3A_81 = arith.constant dense<0.000000e+00> : vector<128xf32>
    %reduce_sum3A_82 = vector.multi_reduction <add>, %mul3A_80, %reduce_sum3A_81 [0, 1] : vector<8x512x128xf32> to vector<128xf32>
    %broadcast_in_dim3A_83 = vector.shape_cast %reduce_sum3A_82 : vector<128xf32> to vector<1x128xf32>
    %reduce_sum3A_84 = arith.constant dense<0.000000e+00> : vector<128xf32>
    %reduce_sum3A_85 = vector.multi_reduction <add>, %sub3A_77, %reduce_sum3A_84 [0, 1] : vector<8x512x128xf32> to vector<128xf32>
    %broadcast_in_dim3A_86 = vector.shape_cast %reduce_sum3A_85 : vector<128xf32> to vector<1x128xf32>
    %mul3A_87 = arith.mulf %sub3A_77, %sub3A_77 : vector<8x512x128xf32>
    %reduce_sum3A_88 = arith.constant dense<0.000000e+00> : vector<128xf32>
    %reduce_sum3A_89 = vector.multi_reduction <add>, %mul3A_87, %reduce_sum3A_88 [0, 1] : vector<8x512x128xf32> to vector<128xf32>
    %broadcast_in_dim3A_90 = vector.shape_cast %reduce_sum3A_89 : vector<128xf32> to vector<1x128xf32>
    %broadcast_in_dim3A_91 = arith.constant 0.000000e+00 : f32
    %broadcast_in_dim3A_92 = vector.broadcast %broadcast_in_dim3A_91 : f32 to vector<4x128xf32>
    %concatenate3A = tpu.concatenate %broadcast_in_dim3A_79, %broadcast_in_dim3A_83, %broadcast_in_dim3A_86, %broadcast_in_dim3A_90, %broadcast_in_dim3A_92 in 0 : vector<1x128xf32>, vector<1x128xf32>, vector<1x128xf32>, vector<1x128xf32>, vector<4x128xf32> -> vector<8x128xf32>
    %eq3A = arith.constant 0 : i32
    %eq3A_93 = arith.cmpi eq, %arg0, %eq3A : i32
    %convert_element_type3A = arith.extui %eq3A_93 : i1 to i32
    %cond3A = arith.constant 0 : i32
    %cond3A_94 = arith.cmpi ne, %convert_element_type3A, %cond3A : i32
    scf.if %cond3A_94 {
      %broadcast_in_dim3A_101 = arith.constant 0.000000e+00 : f32
      %broadcast_in_dim3A_102 = vector.broadcast %broadcast_in_dim3A_101 : f32 to vector<8x128xf32>
      %swap3A_103 = arith.constant 0 : index
      %swap3A_104 = arith.constant 0 : index
      %swap3A_105 = vector.load %arg5[%swap3A_103, %swap3A_104] : memref<8x128xf32, #tpu.memory_space<vmem>>, vector<8x128xf32>
      tpu.vector_store %arg5[%swap3A_103, %swap3A_104], %broadcast_in_dim3A_102 {strides = array<i32>} : memref<8x128xf32, #tpu.memory_space<vmem>>, vector<8x128xf32>,
    } else {
    }
    %get3A_95 = arith.constant 0 : index
    %get3A_96 = arith.constant 0 : index
    %get3A_97 = vector.load %arg5[%get3A_95, %get3A_96] : memref<8x128xf32, #tpu.memory_space<vmem>>, vector<8x128xf32>
    %add3A_98 = arith.addf %get3A_97, %concatenate3A : vector<8x128xf32>
    %swap3A = arith.constant 0 : index
    %swap3A_99 = arith.constant 0 : index
    %swap3A_100 = vector.load %arg5[%swap3A, %swap3A_99] : memref<8x128xf32, #tpu.memory_space<vmem>>, vector<8x128xf32>
    tpu.vector_store %arg5[%swap3A, %swap3A_99], %add3A_98 {strides = array<i32>} : memref<8x128xf32, #tpu.memory_space<vmem>>, vector<8x128xf32>,
    return
  }
  func.func @transform_0(%arg0: i32) -> (i32, i32, i32) {
    %c0_i32 = arith.constant 0 : i32
    %c0_i32_0 = arith.constant 0 : i32
    %c0_i32_1 = arith.constant 0 : i32
    return %c0_i32, %arg0, %c0_i32_0 : i32, i32, i32
  }
  func.func @transform_1(%arg0: i32) -> (i32, i32) {
    %c0_i32 = arith.constant 0 : i32
    %c0_i32_0 = arith.constant 0 : i32
    return %arg0, %c0_i32 : i32, i32
  }
  func.func @transform_2(%arg0: i32) -> (i32, i32) {
    %c0_i32 = arith.constant 0 : i32
    %c0_i32_0 = arith.constant 0 : i32
    %c0_i32_1 = arith.constant 0 : i32
    return %c0_i32, %c0_i32_0 : i32, i32
  }
  func.func @transform_3(%arg0: i32) -> (i32, i32) {
    %c0_i32 = arith.constant 0 : i32
    %c0_i32_0 = arith.constant 0 : i32
    %c0_i32_1 = arith.constant 0 : i32
    return %c0_i32, %c0_i32_0 : i32, i32
  }
  func.func @transform_4(%arg0: i32) -> (i32, i32) {
    %c0_i32 = arith.constant 0 : i32
    %c0_i32_0 = arith.constant 0 : i32
    %c0_i32_1 = arith.constant 0 : i32
    return %c0_i32, %c0_i32_0 : i32, i32
  }
}

module attributes {stable_mosaic.version = 14 : i64} {
  func.func @body(%arg0: i32, %arg1: memref<8x512x128xi32, #tpu.memory_space<vmem>>, %arg2: memref<512x4xf32, #tpu.memory_space<vmem>>, %arg3: memref<8x128xf32, #tpu.memory_space<vmem>>, %arg4: memref<8x128xf32, #tpu.memory_space<vmem>>, %arg5: memref<8x128xf32, #tpu.memory_space<vmem>>, %arg6: memref<256x512xbf16, #tpu.memory_space<vmem>>, %arg7: memref<512x128xf32, #tpu.memory_space<vmem>>, %arg8: memref<8x512xf32, #tpu.memory_space<vmem>>) attributes {dimension_semantics = [#tpu.dimension_semantics<arbitrary>], iteration_bounds = array<i64: 64>, scalar_prefetch = 0 : i64, scratch_operands = 0 : i64, tpu.core_type = #tpu.core_type<tc>, window_params = [{transform_indices = @transform_0, window_bounds = array<i64: 8, 512, 128>}, {transform_indices = @transform_1, window_bounds = array<i64: 512, 4>}, {pipeline_mode = #tpu.pipeline_mode<synchronous>, transform_indices = @transform_2, window_bounds = array<i64: 8, 128>}, {pipeline_mode = #tpu.pipeline_mode<synchronous>, transform_indices = @transform_3, window_bounds = array<i64: 8, 128>}, {pipeline_mode = #tpu.pipeline_mode<synchronous>, transform_indices = @transform_4, window_bounds = array<i64: 8, 128>}, {pipeline_mode = #tpu.pipeline_mode<synchronous>, transform_indices = @transform_5, window_bounds = array<i64: 256, 512>}, {transform_indices = @transform_6, window_bounds = array<i64: 512, 128>}, {pipeline_mode = #tpu.pipeline_mode<synchronous>, transform_indices = @transform_7, window_bounds = array<i64: 8, 512>}]} {
    %get3A = arith.constant 0 : index
    %get3A_0 = arith.constant 0 : index
    %get3A_1 = arith.constant 0 : index
    %get3A_2 = vector.load %arg1[%get3A, %get3A_0, %get3A_1] : memref<8x512x128xi32, #tpu.memory_space<vmem>>, vector<8x512x128xi32>
    %bitcast_convert_type3A = tpu.bitcast %get3A_2 : vector<8x512x128xi32> -> vector<8x512x128xi32>
    %shift_left3A = arith.constant 16 : i32
    %shift_left3A_3 = vector.broadcast %shift_left3A : i32 to vector<8x512x128xi32>
    %shift_left3A_4 = arith.shli %bitcast_convert_type3A, %shift_left3A_3 : vector<8x512x128xi32>
    %bitcast_convert_type3A_5 = tpu.bitcast %shift_left3A_4 : vector<8x512x128xi32> -> vector<8x512x128xf32>
    %and3A = arith.constant -65536 : i32
    %and3A_6 = vector.broadcast %and3A : i32 to vector<8x512x128xi32>
    %and3A_7 = arith.andi %bitcast_convert_type3A, %and3A_6 : vector<8x512x128xi32>
    %bitcast_convert_type3A_8 = tpu.bitcast %and3A_7 : vector<8x512x128xi32> -> vector<8x512x128xf32>
    %get3A_9 = arith.constant 0 : index
    %get3A_10 = arith.constant 3 : index
    %get3A_11 = vector.load %arg2[%get3A_9, %get3A_10] : memref<512x4xf32, #tpu.memory_space<vmem>>, vector<512x1xf32>
    %broadcast_in_dim3A = vector.shape_cast %get3A_11 : vector<512x1xf32> to vector<1x512x1xf32>
    %mul3A = vector.broadcast %broadcast_in_dim3A : vector<1x512x1xf32> to vector<8x512x128xf32>
    %mul3A_12 = arith.mulf %bitcast_convert_type3A_5, %mul3A : vector<8x512x128xf32>
    %get3A_13 = arith.constant 0 : index
    %get3A_14 = arith.constant 0 : index
    %get3A_15 = vector.load %arg2[%get3A_13, %get3A_14] : memref<512x4xf32, #tpu.memory_space<vmem>>, vector<512x1xf32>
    %get3A_16 = arith.constant 0 : index
    %get3A_17 = arith.constant 0 : index
    %get3A_18 = vector.load %arg3[%get3A_16, %get3A_17] : memref<8x128xf32, #tpu.memory_space<vmem>>, vector<1x128xf32>
    %mul3A_19 = vector.broadcast %get3A_15 : vector<512x1xf32> to vector<512x128xf32>
    %mul3A_20 = vector.broadcast %get3A_18 : vector<1x128xf32> to vector<512x128xf32>
    %mul3A_21 = arith.mulf %mul3A_19, %mul3A_20 : vector<512x128xf32>
    %get3A_22 = arith.constant 0 : index
    %get3A_23 = arith.constant 1 : index
    %get3A_24 = vector.load %arg2[%get3A_22, %get3A_23] : memref<512x4xf32, #tpu.memory_space<vmem>>, vector<512x1xf32>
    %get3A_25 = arith.constant 1 : index
    %get3A_26 = arith.constant 0 : index
    %get3A_27 = vector.load %arg3[%get3A_25, %get3A_26] : memref<8x128xf32, #tpu.memory_space<vmem>>, vector<1x128xf32>
    %mul3A_28 = vector.broadcast %get3A_24 : vector<512x1xf32> to vector<512x128xf32>
    %mul3A_29 = vector.broadcast %get3A_27 : vector<1x128xf32> to vector<512x128xf32>
    %mul3A_30 = arith.mulf %mul3A_28, %mul3A_29 : vector<512x128xf32>
    %add3A = arith.addf %mul3A_21, %mul3A_30 : vector<512x128xf32>
    %get3A_31 = arith.constant 0 : index
    %get3A_32 = arith.constant 2 : index
    %get3A_33 = vector.load %arg2[%get3A_31, %get3A_32] : memref<512x4xf32, #tpu.memory_space<vmem>>, vector<512x1xf32>
    %get3A_34 = arith.constant 2 : index
    %get3A_35 = arith.constant 0 : index
    %get3A_36 = vector.load %arg3[%get3A_34, %get3A_35] : memref<8x128xf32, #tpu.memory_space<vmem>>, vector<1x128xf32>
    %mul3A_37 = vector.broadcast %get3A_33 : vector<512x1xf32> to vector<512x128xf32>
    %mul3A_38 = vector.broadcast %get3A_36 : vector<1x128xf32> to vector<512x128xf32>
    %mul3A_39 = arith.mulf %mul3A_37, %mul3A_38 : vector<512x128xf32>
    %add3A_40 = arith.addf %add3A, %mul3A_39 : vector<512x128xf32>
    %broadcast_in_dim3A_41 = vector.shape_cast %add3A_40 : vector<512x128xf32> to vector<1x512x128xf32>
    %sub3A = vector.broadcast %broadcast_in_dim3A_41 : vector<1x512x128xf32> to vector<8x512x128xf32>
    %sub3A_42 = arith.subf %mul3A_12, %sub3A : vector<8x512x128xf32>
    %broadcast_in_dim3A_43 = vector.shape_cast %get3A_11 : vector<512x1xf32> to vector<1x512x1xf32>
    %mul3A_44 = vector.broadcast %broadcast_in_dim3A_43 : vector<1x512x1xf32> to vector<8x512x128xf32>
    %mul3A_45 = arith.mulf %bitcast_convert_type3A_8, %mul3A_44 : vector<8x512x128xf32>
    %get3A_46 = arith.constant 0 : index
    %get3A_47 = arith.constant 0 : index
    %get3A_48 = vector.load %arg2[%get3A_46, %get3A_47] : memref<512x4xf32, #tpu.memory_space<vmem>>, vector<512x1xf32>
    %get3A_49 = arith.constant 0 : index
    %get3A_50 = arith.constant 0 : index
    %get3A_51 = vector.load %arg4[%get3A_49, %get3A_50] : memref<8x128xf32, #tpu.memory_space<vmem>>, vector<1x128xf32>
    %mul3A_52 = vector.broadcast %get3A_48 : vector<512x1xf32> to vector<512x128xf32>
    %mul3A_53 = vector.broadcast %get3A_51 : vector<1x128xf32> to vector<512x128xf32>
    %mul3A_54 = arith.mulf %mul3A_52, %mul3A_53 : vector<512x128xf32>
    %get3A_55 = arith.constant 0 : index
    %get3A_56 = arith.constant 1 : index
    %get3A_57 = vector.load %arg2[%get3A_55, %get3A_56] : memref<512x4xf32, #tpu.memory_space<vmem>>, vector<512x1xf32>
    %get3A_58 = arith.constant 1 : index
    %get3A_59 = arith.constant 0 : index
    %get3A_60 = vector.load %arg4[%get3A_58, %get3A_59] : memref<8x128xf32, #tpu.memory_space<vmem>>, vector<1x128xf32>
    %mul3A_61 = vector.broadcast %get3A_57 : vector<512x1xf32> to vector<512x128xf32>
    %mul3A_62 = vector.broadcast %get3A_60 : vector<1x128xf32> to vector<512x128xf32>
    %mul3A_63 = arith.mulf %mul3A_61, %mul3A_62 : vector<512x128xf32>
    %add3A_64 = arith.addf %mul3A_54, %mul3A_63 : vector<512x128xf32>
    %get3A_65 = arith.constant 0 : index
    %get3A_66 = arith.constant 2 : index
    %get3A_67 = vector.load %arg2[%get3A_65, %get3A_66] : memref<512x4xf32, #tpu.memory_space<vmem>>, vector<512x1xf32>
    %get3A_68 = arith.constant 2 : index
    %get3A_69 = arith.constant 0 : index
    %get3A_70 = vector.load %arg4[%get3A_68, %get3A_69] : memref<8x128xf32, #tpu.memory_space<vmem>>, vector<1x128xf32>
    %mul3A_71 = vector.broadcast %get3A_67 : vector<512x1xf32> to vector<512x128xf32>
    %mul3A_72 = vector.broadcast %get3A_70 : vector<1x128xf32> to vector<512x128xf32>
    %mul3A_73 = arith.mulf %mul3A_71, %mul3A_72 : vector<512x128xf32>
    %add3A_74 = arith.addf %add3A_64, %mul3A_73 : vector<512x128xf32>
    %broadcast_in_dim3A_75 = vector.shape_cast %add3A_74 : vector<512x128xf32> to vector<1x512x128xf32>
    %sub3A_76 = vector.broadcast %broadcast_in_dim3A_75 : vector<1x512x128xf32> to vector<8x512x128xf32>
    %sub3A_77 = arith.subf %mul3A_45, %sub3A_76 : vector<8x512x128xf32>
    %get3A_78 = arith.constant 0 : index
    %get3A_79 = arith.constant 0 : index
    %get3A_80 = vector.load %arg5[%get3A_78, %get3A_79] : memref<8x128xf32, #tpu.memory_space<vmem>>, vector<1x128xf32>
    %broadcast_in_dim3A_81 = vector.shape_cast %get3A_80 : vector<1x128xf32> to vector<1x1x128xf32>
    %sub3A_82 = vector.broadcast %broadcast_in_dim3A_81 : vector<1x1x128xf32> to vector<8x512x128xf32>
    %sub3A_83 = arith.subf %sub3A_42, %sub3A_82 : vector<8x512x128xf32>
    %get3A_84 = arith.constant 2 : index
    %get3A_85 = arith.constant 0 : index
    %get3A_86 = vector.load %arg5[%get3A_84, %get3A_85] : memref<8x128xf32, #tpu.memory_space<vmem>>, vector<1x128xf32>
    %broadcast_in_dim3A_87 = vector.shape_cast %get3A_86 : vector<1x128xf32> to vector<1x1x128xf32>
    %mul3A_88 = vector.broadcast %broadcast_in_dim3A_87 : vector<1x1x128xf32> to vector<8x512x128xf32>
    %mul3A_89 = arith.mulf %sub3A_83, %mul3A_88 : vector<8x512x128xf32>
    %max3A = arith.constant 0.000000e+00 : f32
    %max3A_90 = vector.broadcast %max3A : f32 to vector<8x512x128xf32>
    %max3A_91 = arith.maximumf %mul3A_89, %max3A_90 : vector<8x512x128xf32>
    %get3A_92 = arith.constant 1 : index
    %get3A_93 = arith.constant 0 : index
    %get3A_94 = vector.load %arg5[%get3A_92, %get3A_93] : memref<8x128xf32, #tpu.memory_space<vmem>>, vector<1x128xf32>
    %broadcast_in_dim3A_95 = vector.shape_cast %get3A_94 : vector<1x128xf32> to vector<1x1x128xf32>
    %sub3A_96 = vector.broadcast %broadcast_in_dim3A_95 : vector<1x1x128xf32> to vector<8x512x128xf32>
    %sub3A_97 = arith.subf %sub3A_77, %sub3A_96 : vector<8x512x128xf32>
    %get3A_98 = arith.constant 3 : index
    %get3A_99 = arith.constant 0 : index
    %get3A_100 = vector.load %arg5[%get3A_98, %get3A_99] : memref<8x128xf32, #tpu.memory_space<vmem>>, vector<1x128xf32>
    %broadcast_in_dim3A_101 = vector.shape_cast %get3A_100 : vector<1x128xf32> to vector<1x1x128xf32>
    %mul3A_102 = vector.broadcast %broadcast_in_dim3A_101 : vector<1x1x128xf32> to vector<8x512x128xf32>
    %mul3A_103 = arith.mulf %sub3A_97, %mul3A_102 : vector<8x512x128xf32>
    %max3A_104 = arith.constant 0.000000e+00 : f32
    %max3A_105 = vector.broadcast %max3A_104 : f32 to vector<8x512x128xf32>
    %max3A_106 = arith.maximumf %mul3A_103, %max3A_105 : vector<8x512x128xf32>
    %concatenate3A = tpu.concatenate %max3A_91, %max3A_106 in 2 : vector<8x512x128xf32>, vector<8x512x128xf32> -> vector<8x512x256xf32>
    %convert_element_type3A = arith.truncf %concatenate3A : vector<8x512x256xf32> to vector<8x512x256xbf16>
    %reshape3A = vector.shape_cast %convert_element_type3A : vector<8x512x256xbf16> to vector<4096x256xbf16>
    %get3A_107 = arith.constant 0 : index
    %get3A_108 = arith.constant 0 : index
    %get3A_109 = vector.load %arg6[%get3A_107, %get3A_108] : memref<256x512xbf16, #tpu.memory_space<vmem>>, vector<256x512xbf16>
    %dot_general3A = arith.constant dense<0.000000e+00> : vector<4096x512xf32>
    %dot_general3A_110 = tpu.matmul %reshape3A, %get3A_109, %dot_general3A {dimension_numbers = #tpu.dot_dimension_numbers<[1], [0], [0], [1], [0, 0, 1, 1], [], []>, transpose_lhs_hint = false} : vector<4096x256xbf16>, vector<256x512xbf16>, vector<4096x512xf32> -> vector<4096x512xf32>
    %reduce_sum3A = arith.constant dense<0.000000e+00> : vector<512xf32>
    %reduce_sum3A_111 = vector.multi_reduction <add>, %dot_general3A_110, %reduce_sum3A [0] : vector<4096x512xf32> to vector<512xf32>
    %broadcast_in_dim3A_112 = vector.shape_cast %reduce_sum3A_111 : vector<512xf32> to vector<1x512xf32>
    %mul3A_113 = arith.mulf %dot_general3A_110, %dot_general3A_110 : vector<4096x512xf32>
    %reduce_sum3A_114 = arith.constant dense<0.000000e+00> : vector<512xf32>
    %reduce_sum3A_115 = vector.multi_reduction <add>, %mul3A_113, %reduce_sum3A_114 [0] : vector<4096x512xf32> to vector<512xf32>
    %broadcast_in_dim3A_116 = vector.shape_cast %reduce_sum3A_115 : vector<512xf32> to vector<1x512xf32>
    %broadcast_in_dim3A_117 = arith.constant 0.000000e+00 : f32
    %broadcast_in_dim3A_118 = vector.broadcast %broadcast_in_dim3A_117 : f32 to vector<6x512xf32>
    %concatenate3A_119 = tpu.concatenate %broadcast_in_dim3A_112, %broadcast_in_dim3A_116, %broadcast_in_dim3A_118 in 0 : vector<1x512xf32>, vector<1x512xf32>, vector<6x512xf32> -> vector<8x512xf32>
    %eq3A = arith.constant 0 : i32
    %eq3A_120 = arith.cmpi eq, %arg0, %eq3A : i32
    %convert_element_type3A_121 = arith.extui %eq3A_120 : i1 to i32
    %cond3A = arith.constant 0 : i32
    %cond3A_122 = arith.cmpi ne, %convert_element_type3A_121, %cond3A : i32
    scf.if %cond3A_122 {
      %broadcast_in_dim3A_140 = arith.constant 0.000000e+00 : f32
      %broadcast_in_dim3A_141 = vector.broadcast %broadcast_in_dim3A_140 : f32 to vector<8x512xf32>
      %swap3A_142 = arith.constant 0 : index
      %swap3A_143 = arith.constant 0 : index
      %swap3A_144 = vector.load %arg8[%swap3A_142, %swap3A_143] : memref<8x512xf32, #tpu.memory_space<vmem>>, vector<8x512xf32>
      tpu.vector_store %arg8[%swap3A_142, %swap3A_143], %broadcast_in_dim3A_141 {strides = array<i32>} : memref<8x512xf32, #tpu.memory_space<vmem>>, vector<8x512xf32>,
    } else {
    }
    %get3A_123 = arith.constant 0 : index
    %get3A_124 = arith.constant 0 : index
    %get3A_125 = vector.load %arg8[%get3A_123, %get3A_124] : memref<8x512xf32, #tpu.memory_space<vmem>>, vector<8x512xf32>
    %add3A_126 = arith.addf %get3A_125, %concatenate3A_119 : vector<8x512xf32>
    %swap3A = arith.constant 0 : index
    %swap3A_127 = arith.constant 0 : index
    %swap3A_128 = vector.load %arg8[%swap3A, %swap3A_127] : memref<8x512xf32, #tpu.memory_space<vmem>>, vector<8x512xf32>
    tpu.vector_store %arg8[%swap3A, %swap3A_127], %add3A_126 {strides = array<i32>} : memref<8x512xf32, #tpu.memory_space<vmem>>, vector<8x512xf32>,
    %reshape3A_129 = vector.shape_cast %dot_general3A_110 : vector<4096x512xf32> to vector<8x512x512xf32>
    %reduce_max3A = arith.constant dense<0xFF800000> : vector<512x512xf32>
    %reduce_max3A_130 = vector.multi_reduction <maximumf>, %reshape3A_129, %reduce_max3A [0] : vector<8x512x512xf32> to vector<512x512xf32>
    %slice3A = vector.extract_strided_slice %reduce_max3A_130 {offsets = [0, 0], sizes = [512, 128], strides = [1, 1]} : vector<512x512xf32> to vector<512x128xf32>
    %slice3A_131 = vector.extract_strided_slice %reduce_max3A_130 {offsets = [0, 128], sizes = [512, 128], strides = [1, 1]} : vector<512x512xf32> to vector<512x128xf32>
    %max3A_132 = arith.maximumf %slice3A, %slice3A_131 : vector<512x128xf32>
    %slice3A_133 = vector.extract_strided_slice %reduce_max3A_130 {offsets = [0, 256], sizes = [512, 128], strides = [1, 1]} : vector<512x512xf32> to vector<512x128xf32>
    %slice3A_134 = vector.extract_strided_slice %reduce_max3A_130 {offsets = [0, 384], sizes = [512, 128], strides = [1, 1]} : vector<512x512xf32> to vector<512x128xf32>
    %max3A_135 = arith.maximumf %slice3A_133, %slice3A_134 : vector<512x128xf32>
    %max3A_136 = arith.maximumf %max3A_132, %max3A_135 : vector<512x128xf32>
    %swap3A_137 = arith.constant 0 : index
    %swap3A_138 = arith.constant 0 : index
    %swap3A_139 = vector.load %arg7[%swap3A_137, %swap3A_138] : memref<512x128xf32, #tpu.memory_space<vmem>>, vector<512x128xf32>
    tpu.vector_store %arg7[%swap3A_137, %swap3A_138], %max3A_136 {strides = array<i32>} : memref<512x128xf32, #tpu.memory_space<vmem>>, vector<512x128xf32>,
    return
  }
  func.func @transform_0(%arg0: i32) -> (i32, i32, i32) {
    %c0_i32 = arith.constant 0 : i32
    %c0_i32_0 = arith.constant 0 : i32
    %c0_i32_1 = arith.constant 0 : i32
    return %c0_i32, %arg0, %c0_i32_0 : i32, i32, i32
  }
  func.func @transform_1(%arg0: i32) -> (i32, i32) {
    %c0_i32 = arith.constant 0 : i32
    %c0_i32_0 = arith.constant 0 : i32
    return %arg0, %c0_i32 : i32, i32
  }
  func.func @transform_2(%arg0: i32) -> (i32, i32) {
    %c0_i32 = arith.constant 0 : i32
    %c0_i32_0 = arith.constant 0 : i32
    %c0_i32_1 = arith.constant 0 : i32
    return %c0_i32, %c0_i32_0 : i32, i32
  }
  func.func @transform_3(%arg0: i32) -> (i32, i32) {
    %c0_i32 = arith.constant 0 : i32
    %c0_i32_0 = arith.constant 0 : i32
    %c0_i32_1 = arith.constant 0 : i32
    return %c0_i32, %c0_i32_0 : i32, i32
  }
  func.func @transform_4(%arg0: i32) -> (i32, i32) {
    %c0_i32 = arith.constant 0 : i32
    %c0_i32_0 = arith.constant 0 : i32
    %c0_i32_1 = arith.constant 0 : i32
    return %c0_i32, %c0_i32_0 : i32, i32
  }
  func.func @transform_5(%arg0: i32) -> (i32, i32) {
    %c0_i32 = arith.constant 0 : i32
    %c0_i32_0 = arith.constant 0 : i32
    %c0_i32_1 = arith.constant 0 : i32
    return %c0_i32, %c0_i32_0 : i32, i32
  }
  func.func @transform_6(%arg0: i32) -> (i32, i32) {
    %c0_i32 = arith.constant 0 : i32
    %c0_i32_0 = arith.constant 0 : i32
    return %arg0, %c0_i32 : i32, i32
  }
  func.func @transform_7(%arg0: i32) -> (i32, i32) {
    %c0_i32 = arith.constant 0 : i32
    %c0_i32_0 = arith.constant 0 : i32
    %c0_i32_1 = arith.constant 0 : i32
    return %c0_i32, %c0_i32_0 : i32, i32
  }
}

module attributes {stable_mosaic.version = 14 : i64} {
  func.func @_finish_body(%arg0: i32, %arg1: memref<2048x64xf32, #tpu.memory_space<vmem>>, %arg2: memref<2048x128xf32, #tpu.memory_space<vmem>>, %arg3: memref<8x192xf32, #tpu.memory_space<vmem>>, %arg4: memref<2048x192xf32, #tpu.memory_space<vmem>>) attributes {dimension_semantics = [#tpu.dimension_semantics<arbitrary>], iteration_bounds = array<i64: 16>, scalar_prefetch = 0 : i64, scratch_operands = 0 : i64, tpu.core_type = #tpu.core_type<tc>, window_params = [{transform_indices = @transform_0, window_bounds = array<i64: 2048, 64>}, {transform_indices = @transform_1, window_bounds = array<i64: 2048, 128>}, {pipeline_mode = #tpu.pipeline_mode<synchronous>, transform_indices = @transform_2, window_bounds = array<i64: 8, 192>}, {transform_indices = @transform_3, window_bounds = array<i64: 2048, 192>}]} {
    %get3A = arith.constant 0 : index
    %get3A_0 = arith.constant 0 : index
    %get3A_1 = vector.load %arg1[%get3A, %get3A_0] : memref<2048x64xf32, #tpu.memory_space<vmem>>, vector<2048x64xf32>
    %get3A_2 = arith.constant 0 : index
    %get3A_3 = arith.constant 0 : index
    %get3A_4 = vector.load %arg2[%get3A_2, %get3A_3] : memref<2048x128xf32, #tpu.memory_space<vmem>>, vector<2048x128xf32>
    %concatenate3A = tpu.concatenate %get3A_1, %get3A_4 in 1 : vector<2048x64xf32>, vector<2048x128xf32> -> vector<2048x192xf32>
    %get3A_5 = arith.constant 0 : index
    %get3A_6 = arith.constant 0 : index
    %get3A_7 = vector.load %arg3[%get3A_5, %get3A_6] : memref<8x192xf32, #tpu.memory_space<vmem>>, vector<1x192xf32>
    %sub3A = vector.broadcast %get3A_7 : vector<1x192xf32> to vector<2048x192xf32>
    %sub3A_8 = arith.subf %concatenate3A, %sub3A : vector<2048x192xf32>
    %get3A_9 = arith.constant 1 : index
    %get3A_10 = arith.constant 0 : index
    %get3A_11 = vector.load %arg3[%get3A_9, %get3A_10] : memref<8x192xf32, #tpu.memory_space<vmem>>, vector<1x192xf32>
    %mul3A = vector.broadcast %get3A_11 : vector<1x192xf32> to vector<2048x192xf32>
    %mul3A_12 = arith.mulf %sub3A_8, %mul3A : vector<2048x192xf32>
    %max3A = arith.constant 0.000000e+00 : f32
    %max3A_13 = vector.broadcast %max3A : f32 to vector<2048x192xf32>
    %max3A_14 = arith.maximumf %mul3A_12, %max3A_13 : vector<2048x192xf32>
    %swap3A = arith.constant 0 : index
    %swap3A_15 = arith.constant 0 : index
    %swap3A_16 = vector.load %arg4[%swap3A, %swap3A_15] : memref<2048x192xf32, #tpu.memory_space<vmem>>, vector<2048x192xf32>
    tpu.vector_store %arg4[%swap3A, %swap3A_15], %max3A_14 {strides = array<i32>} : memref<2048x192xf32, #tpu.memory_space<vmem>>, vector<2048x192xf32>,
    return
  }
  func.func @transform_0(%arg0: i32) -> (i32, i32) {
    %c0_i32 = arith.constant 0 : i32
    %c0_i32_0 = arith.constant 0 : i32
    return %arg0, %c0_i32 : i32, i32
  }
  func.func @transform_1(%arg0: i32) -> (i32, i32) {
    %c0_i32 = arith.constant 0 : i32
    %c0_i32_0 = arith.constant 0 : i32
    return %arg0, %c0_i32 : i32, i32
  }
  func.func @transform_2(%arg0: i32) -> (i32, i32) {
    %c0_i32 = arith.constant 0 : i32
    %c0_i32_0 = arith.constant 0 : i32
    %c0_i32_1 = arith.constant 0 : i32
    return %c0_i32, %c0_i32_0 : i32, i32
  }
  func.func @transform_3(%arg0: i32) -> (i32, i32) {
    %c0_i32 = arith.constant 0 : i32
    %c0_i32_0 = arith.constant 0 : i32
    return %arg0, %c0_i32 : i32, i32
  }
}

</mosaic_0001>

<sc_bundles>
// kernel: kernel.10.cloned.1.call-start
scs
__scs_entry_jumppad:
0x0: {  	(pc) =	sbr.rel $0x88, $3  }
0x1: {  	(tag) =	ssettag $0x0;
	lr =	simm.s32 $0x1  }
0x2: {  	[smem:$0x3F96] =	sst lr;
	_ =	strace $0xD0000000  }
0x3: {  	_ = 	snop  }
0x4: {  	_ = 	snop  }
0x5: {  	_ = 	snop  }
0x6: {  	_ = 	snop  }
0x7: {  	_ = 	snop  }
__scs_overlays_trampoline_lowered:
0x8: {  	[smem:$0x3FA5] =	sst s0  }
0x9: {  	[smem:$0x3FA6] =	sst s1  }
0xa: {  	[smem:$0x3FA7] =	sst s2  }
0xb: {  	[smem:$0x3FA8] =	sst s3  }
0xc: {  	[smem:$0x3FA9] =	sst s4  }
0xd: {  	[smem:$0x3FAA] =	sst s5  }
0xe: {  	[smem:$0x3FAB] =	sst s6  }
0xf: {  	[smem:$0x3FAC] =	sst s7  }
0x10: {  	[smem:$0x3FAD] =	sst s8  }
0x11: {  	[smem:$0x3FAE] =	sst s9;
	s0 =	simm.s32 @!p0 $0x0  }
0x12: {  	s1 =	sld [smem:$0x3F94];
	s0 =	simm.s32 @p0 $0x1  }
0x13: {  	[smem:$0x3FAF] =	sst s0;
	s0 =	simm.s32 @!p1 $0x0  }
0x14: {  	s2 =	sld [smem:$0x3F93];
	s0 =	simm.s32 @p1 $0x1  }
0x15: {  	[smem:$0x3FB0] =	sst s0;
	s0 =	simm.s32 @!p2 $0x0  }
0x16: {  	s3 =	sld [smem:$0x3FDB];
	s0 =	simm.s32 @p2 $0x1  }
0x17: {  	s4 =	simm.s32 $0x1BF5;
	[smem:$0x3FB2] =	sst s0  }
0x18: {  	s0 =	sld [smem:$0x3F95];
	_ =	swait.ge [sflag:s4], $0x0  }
0x19: {  	s7 =	sld [smem:$0x3F96]  }
0x1a: {  	s8 =	sadd.s32 $0xFFFFE003, lr  }
0x1b: {  	s9 =	sadd.s32 $0xFFFFFEF7, lr;
	s5 =	simm.s32 $0xFFFFFFFF;
	p2 =	slt.u32 s8, $0xFFFFF086  }
0x1c: {  	p1 =	slt.u32 s9, $0xF7A;
	s5 =	simm.s32 @!p2 $0x0  }
0x1d: {  	s5 =	simm.s32 @p1 $0x1;
	p0 =	seq.s32 s7, s2  }
0x1e: {  	s7 =	smul.u32 @!p0 $0xF7A, s2;
	p2 =	seq.s32 @!p0 s5, $0x0  }
0x1f: {  	s9 =	smul.u32 $0xF7A, s1;
	s8 =	simm.s32 @!p0 $0x1BF5;
	p2 =	por !p2, p0  }
0x20: {  	[sflag:s8] =	ssyncset.s32 @!p0 $0xFFFFF086;
	s6 =	sadd.s32 @!p0 s3, s7;
	s7 =	simm.s32 @!p0 $0x108  }
0x21: {  	s3 =	sadd.s32 s3, s9;
	s6 =	sadd.s32 @!p0 $0x88, s6;
	s7 =	simm.s32 @p2 $0x1082  }
0x22: {  	[simem:s7], [sflag:s8] =	dma.local @!p0 [hbm:s6], $0xF7A  }
0x23: {  	s9 =	sor.u32 $0xD0000000, s2;
	s6 =	simm.s32 $0x108;
	_ =	swait.ge @!p0 [sflag:s8], $0x0  }
0x24: {  	s3 =	sadd.s32 $0x88, s3;
	s6 =	simm.s32 @!p1 $0x1082;
	[sflag:s4] =	ssyncset.s32 $0xFFFFF086  }
0x25: {  	[simem:s6], [sflag:s4] =	dma.local [hbm:s3], $0xF7A  }
0x26: {  	[smem:$0x3F96] =	sst s1;
	(tag) =	ssettag s2;
	_ =	strace s9  }
0x27: {  	s1 =	sld [smem:$0x3FA6]  }
0x28: {  	s2 =	sld [smem:$0x3FA7]  }
0x29: {  	s4 =	sld [smem:$0x3FA9]  }
0x2a: {  	p0 =	seq.s32 s5, $0x0;
	s5 =	sld [smem:$0x3FAA]  }
0x2b: {  	s6 =	sld [smem:$0x3FAB]  }
0x2c: {  	s7 =	sld [smem:$0x3FAC]  }
0x2d: {  	s3 =	simm.s32 $0x108;
	s8 =	sld [smem:$0x3FAD]  }
0x2e: {  	s3 =	simm.s32 @!p0 $0x1082;
	s9 =	sld [smem:$0x3FAE]  }
0x2f: {  	lr =	sadd.s32 s0, s3;
	s0 =	sld [smem:$0x3FA5]  }
0x30: {  	s3 =	sld [smem:$0x3FA8]  }
0x31: {  	[smem:$0x3FB1] =	sst s10  }
0x32: {  	s10 =	sld [smem:$0x3FAF];
	_ =	sdelay $0x3  }
0x33: {  	p0 =	seq.s32 s10, $0x1;
	s10 =	sld [smem:$0x3FB1];
	_ =	sdelay $0x3  }
0x34: {  	[smem:$0x3FB1] =	sst s10  }
0x35: {  	s10 =	sld [smem:$0x3FB0];
	_ =	sdelay $0x3  }
0x36: {  	p1 =	seq.s32 s10, $0x1;
	s10 =	sld [smem:$0x3FB1];
	_ =	sdelay $0x3  }
0x37: {  	[smem:$0x3FB1] =	sst s10  }
0x38: {  	s10 =	sld [smem:$0x3FB2]  }
0x39: {  	_ = 	snop;
	(pc) =	sbr.ind lr, $3  }
0x3a: {  	_ = 	snop  }
0x3b: {  	_ = 	snop  }
0x3c: {  	p2 =	seq.s32 s10, $0x1;
	s10 =	sld [smem:$0x3FB1]  }
0x3d: {  	_ =	shalt  }
0x3e: {  	_ =	shalt  }
0x3f: {  	_ =	shalt  }
0x40: {  	_ =	shalt  }
0x41: {  	_ =	shalt  }
0x42: {  	_ =	shalt  }
0x43: {  	_ =	shalt  }
0x44: {  	_ =	shalt  }
0x45: {  	_ =	shalt  }
0x46: {  	_ =	shalt  }
0x47: {  	_ =	shalt  }
0x48: {  	_ =	shalt  }
0x49: {  	_ =	shalt  }
0x4a: {  	_ =	shalt  }
0x4b: {  	_ =	shalt  }
0x4c: {  	_ =	shalt  }
0x4d: {  	_ =	shalt  }
0x4e: {  	_ =	shalt  }
0x4f: {  	_ =	shalt  }
0x50: {  	_ =	shalt  }
0x51: {  	_ =	shalt  }
0x52: {  	_ =	shalt  }
0x53: {  	_ =	shalt  }
0x54: {  	_ =	shalt  }
0x55: {  	_ =	shalt  }
0x56: {  	_ =	shalt  }
0x57: {  	_ =	shalt  }
0x58: {  	_ =	shalt  }
0x59: {  	_ =	shalt  }
0x5a: {  	_ =	shalt  }
0x5b: {  	_ =	shalt  }
0x5c: {  	_ =	shalt  }
0x5d: {  	_ =	shalt  }
0x5e: {  	_ =	shalt  }
0x5f: {  	_ =	shalt  }
0x60: {  	_ =	shalt  }
0x61: {  	_ =	shalt  }
0x62: {  	_ =	shalt  }
0x63: {  	_ =	shalt  }
0x64: {  	_ =	shalt  }
0x65: {  	_ =	shalt  }
0x66: {  	_ =	shalt  }
0x67: {  	_ =	shalt  }
0x68: {  	_ =	shalt  }
0x69: {  	_ =	shalt  }
0x6a: {  	_ =	shalt  }
0x6b: {  	_ =	shalt  }
0x6c: {  	_ =	shalt  }
0x6d: {  	_ =	shalt  }
0x6e: {  	_ =	shalt  }
0x6f: {  	_ =	shalt  }
0x70: {  	_ =	shalt  }
0x71: {  	_ =	shalt  }
0x72: {  	_ =	shalt  }
0x73: {  	_ =	shalt  }
0x74: {  	_ =	shalt  }
0x75: {  	_ =	shalt  }
0x76: {  	_ =	shalt  }
0x77: {  	_ =	shalt  }
0x78: {  	_ =	shalt  }
0x79: {  	_ =	shalt  }
0x7a: {  	_ =	shalt  }
0x7b: {  	_ =	shalt  }
0x7c: {  	_ =	shalt  }
0x7d: {  	_ =	shalt  }
0x7e: {  	_ =	shalt  }
0x7f: {  	_ =	shalt  }
0x80: {  	_ =	shalt  }
0x81: {  	_ =	shalt  }
0x82: {  	_ =	shalt  }
0x83: {  	_ =	shalt  }
0x84: {  	_ =	shalt  }
0x85: {  	_ =	shalt  }
0x86: {  	_ =	shalt  }
0x87: {  	_ =	shalt  }
.Lfunc_end0:
.L_simem_size_0:
called_computation_lowered:
.L_overlay_start_0:
0x88: {  	s2 =	sld [smem:$0x3FD9]  }
0x89: {  	s3 =	sld [smem:$0x3FFE];
	_ =	sdelay $0x1  }
0x8a: {  	s1 =	srdreg.scid  }
0x8b: {  	s0 =	sand.u32 $0x1, s1  }
0x8c: {  	s17 =	sshll.u32 s0, $0xA;
	s2 =	sadd.s32 s3, s2  }
0x8d: {  	s2 =	sadd.s32 s2, s17  }
0x8e: {  	[smem:$0x3FBD] =	sst s2  }
0x8f: {  	_ = 	snop  }
0x90: {  	(tm) =	ssettm $0x1  }
0x91: {  	s18 =	sld [smem:$0x3FFB];
	_ =	sdelay $0x3  }
0x92: {  	_ =	strace s18  }
0x93: {  	s2 =	sld [smem:$0x3FFC];
	_ =	sdelay $0x3  }
0x94: {  	_ =	strace s2  }
0x95: {  	s2 =	sld [smem:$0x3FFD];
	_ =	sdelay $0x3  }
0x96: {  	_ =	strace s2  }
0x97: {  	_ =	strace $0x8FFFFFFF  }
0x98: {  	s19 =	sld [smem:$0x3FDB];
	_ =	sdelay $0x1  }
0x99: {  	s20 =	simm.s32 $_scs_section_size  }
0x9a: {  	s4 =	simm.s32 $_size__tile_overlayer_lowered;
	s5 =	simm.s32 $_tile_overlayer_lowered  }
0x9b: {  	s6 =	simm.s32 $0x1BFF;
	s21 =	sshll.u32 s5, $0x1;
	s3 =	sadd.s32 s20, s19  }
0x9c: {  	s22 =	simm.s32 $0x0;
	s4 =	sshll.u32 s4, $0x1;
	s5 =	sadd.s32 s21, s3  }
0x9d: {  	[timem:s22], [sflag:s6] =	dma.local [hbm:s5], s4  }
0x9e: {  	_ =	swait.ge [sflag:s6], s4  }
0x9f: {  	s4 =	ssub.s32 $0x0, s4;
	[sflag:s6] =	ssyncset.done $0x0  }
0xa0: {  	[sflag:s6] =	ssyncadd.s32 s4;
	_ =	sdelay $0x1  }
0xa1: {  	s23 =	simm.s32 $0x1B8B  }
0xa2: {  	_ =	swait.ge [sflag:s23], $0x1  }
0xa3: {  	[sflag:s23] =	ssyncset.done $0x0  }
0xa4: {  	[sflag:s23] =	ssyncadd.s32 $0xFFFFFFFF  }
0xa5: {  	s4 =	sld [smem:$0x0]  }
0xa6: {  	s5 =	sand.u32 $0xFFFFFFFE, s1  }
0xa7: {  	p0 =	sne.s32 s1, s5  }
0xa8: {  	s5 =	sshll.u32 @p0 s5, $0xE  }
0xa9: {  	s5 =	sadd.s32 @p0 $0x11B8D, s5;
	s6 =	sshll.u32 @p0 s4, $0x11  }
0xaa: {  	s5 =	sor.u32 @p0 s6, s5  }
0xab: {  	[sflag:s5] =	ssyncadd.remote.s32 @p0 $0x1;
	_ =	sdelay $0x1  }
0xac: {  	s5 =	simm.s32 @p0 $0x1B8D  }
0xad: {  	_ =	swait.eq @p0 [sflag:s5], $0x1  }
0xae: {  	[sflag:s5] =	ssyncadd.s32 @p0 $0xFFFFFFFF  }
0xaf: {  	s6 =	sshll.u32 @!p0 s1, $0xE  }
0xb0: {  	s6 =	sor.u32 @!p0 $0x4000, s6;
	s5 =	simm.s32 @!p0 $0x1B8D  }
0xb1: {  	s4 =	sshll.u32 @!p0 s4, $0x11;
	s6 =	sadd.s32 @!p0 $0x11B8D, s6;
	_ =	swait.eq @!p0 [sflag:s5], $0x1  }
0xb2: {  	s4 =	sor.u32 @!p0 s4, s6;
	[sflag:s5] =	ssyncadd.s32 @!p0 $0xFFFFFFFF  }
0xb3: {  	s25 =	simm.s32 $0x1B8E;
	s24 =	sld [smem:$0x3FFE];
	[sflag:s4] =	ssyncadd.remote.s32 @!p0 $0x1  }
0xb4: {  	s26 =	simm.s32 $execute0_lowered;
	[smem:$0x3FD2] =	sst s25  }
0xb5: {  	s5 =	sshll.u32 s26, $0x1;
	_ =	strace $0x80000049;
	[dreg:$0x1] =	wrdreg $0xFFFFFFFF  }
0xb6: {  	s28 =	simm.s32 $_size_execute0_lowered;
	s3 =	sadd.s32 s3, s5;
	[dreg:$0x0] =	wrdreg $0x0  }
0xb7: {  	s5 =	sshll.u32 s28, $0x1;
	[dreg:$0x2] =	wrdreg s3  }
0xb8: {  	[dreg:$0x3] =	wrdreg s5  }
0xb9: {  	[dreg:$0x4] =	wrdreg $0xC0  }
0xba: {  	_ =	task [dreg:s22], $0x5FFFF  }
0xbb: {  	[dreg:$0x1] =	wrdreg $0xFFFFFFFF  }
0xbc: {  	[dreg:$0x0] =	wrdreg $0x60  }
0xbd: {  	[dreg:$0x2] =	wrdreg s24  }
0xbe: {  	[dreg:$0x3] =	wrdreg $0x9  }
0xbf: {  	_ =	task.clear_ibuf [dreg:s22], $0x4FFFF;
	_ =	strace $0x90000049  }
0xc0: {  	s29 =	simm.s32 $0x9;
	_ =	strace $0x8000004B  }
0xc1: {  	_ =	swait.ge [sflag:s29], $0x1  }
0xc2: {  	[sflag:s29] =	ssyncadd.s32 $0xFFFFFFFF  }
0xc3: {  	_ =	strace $0x9000004B  }
0xc4: {  	_ =	sfence  }
0xc5: {  	s30 =	sld [smem:$0x0];
	_ =	sdelay $0x2  }
0xc6: {  	s31 =	sshll.u32 s1, $0xD;
	s1 =	sshrl.u32 s1, $0x2  }
0xc7: {  	s4 =	sand.u32 $0x4000, s31;
	s1 =	sadd.s32 s1, s30  }
0xc8: {  	s0 =	sor.u32 s4, s0;
	s1 =	sshll.u32 s1, $0x11  }
0xc9: {  	s0 =	sor.u32 s1, s0  }
0xca: {  	s0 =	sadd.s32 $0x8F2B, s0  }
0xcb: {  	[sflag:s0] =	ssyncadd.remote.s32 $0x1  }
0xcc: {  	_ =	sfence.sel $0xFFFF  }
0xcd: {  	[dreg:$0x0] =	wrdreg $0xFFFFFFFF;
	(pc) =	sbr.abs _section_cstart, $3  }
0xce: {  	[dreg:$0x1] =	wrdreg $0xFFFFFFFF  }
0xcf: {  	_ =	task.clear_ibuf [dreg:s22], $0x2FFFF;
	_ =	strace $0x9FFFFFFF  }
0xd0: {  	(tm) =	ssettm $0x7FFFFFFF  }
0xd1: {  	_ =	shalt  }
tec
execute0_lowered:
.L_overlay_start_1:
0x0: {  	(tag) =	ssettag $0x1  }
0x1: {  	s0 =	rddreg [dreg:$0x0];
	s1 =	srdreg.scid  }
0x2: {  	s14 =	stileid.u32;
	s2 =	simm.s32 $0x0;
	s15 =	simm.s32 $0x6  }
0x3: {  	s16 =	simm.s32 $0x200;
	s17 =	simm.s32 $0x800;
	s18 =	simm.s32 $0x1  }
0x4: {  	s19 =	simm.s32 $0x20;
	s20 =	simm.s32 $0x80;
	s21 =	simm.s32 $0x4800  }
0x5: {  	s22 =	simm.s32 $0x400;
	s23 =	simm.s32 $0x8800;
	s28 =	simm.s32 $0x3  }
0x6: {  	s29 =	simm.s32 $0x4;
	s30 =	simm.s32 $0x5;
	s31 =	simm.s32 $0x0  }
0x7: {  	s1 =	sand.u32 $0x1, s1;
	s3 =	sshll.u32 s14, $0xE;
	[smem:$0x7FF] =	sst s2  }
0x8: {  	s13 =	sadd.s32 $0x2B0200, s0;
	s14 =	sshll.u32 s14, $0x12;
	s4 =	sshll.u32 s1, $0xD  }
0x9: {  	_ =	strace $0x8000004A;
	s5 =	ssub.s32 $0x2, s1;
	s1 =	sshll.u32 s1, $0x11  }
0xa: {  	s4 =	sor.u32 s4, s3;
	s3 =	sadd.s32 $0x250200, s0;
	s6 =	sshrl.u32 s5, $0x1  }
0xb: {  	s10 =	sshrl.u32 s4, $0x3;
	s12 =	ssub.s32 s5, s6;
	s24 =	sshll.u32 s4, $0x4  }
0xc: {  	s4 =	sor.u32 $0x200, s4;
	s8 =	sadd.s32 s10, s0;
	s5 =	sadd.s32 s13, s24  }
0xd: {  	s0 =	sadd.s32 $0x2A8200, s0;
	s12 =	smax.u32 s12, $0x1;
	s13 =	sadd.s32 s14, s13  }
0xe: {  	s4 =	sshrl.u32 s4, $0x3;
	s24 =	simm.s32 $0x600;
	s25 =	sadd.s32 $0x290200, s8  }
0xf: {  	s26 =	sadd.s32 $0x298200, s8;
	s7 =	sadd.s32 $0x4, s5;
	s8 =	sadd.s32 $0x2A0200, s8  }
0x10: {  	s9 =	sadd.s32 $0x8, s5;
	s10 =	sadd.s32 s10, s0;
	s11 =	sadd.s32 $0xC, s5  }
0x11: {  	s13 =	sadd.s32 s1, s13;
	s14 =	sadd.s32 s4, s0;
	[dreg:$0x2] =	wrdreg s25  }
0x12: {  	[dreg:$0x3] =	wrdreg s26;
	s25 =	simm.s32 $0xC800;
	s26 =	simm.s32 $0x2  }
.LBB2_1:
0x13: {  	s0 =	rddreg [dreg:$0x2]  }
0x14: {  	[tilespmem:s2], [sflag:$0x6] =	stream.linear.gather [hbm4b:s0+s2], $0x200, $0x38;
	[tilespmem:$0x10800] =	vst v63  }
0x15: {  	_ =	swait.ge [sflag:s15], $0x200  }
0x16: {  	[sflag:s15] =	ssyncset.done $0x0  }
0x17: {  	[sflag:s15] =	ssyncadd.s32 $0xFFFFFE00  }
0x18: {  	[tilespmem:s17], [sflag:$0x1] =	stream.indirect.gather [hbm4b:s3+s16], $0x20, s2, s16, $0xb8;
	[tilespmem:$0x10800] =	vst v63  }
0x19: {  	_ =	swait.ge [sflag:s18], $0x4000  }
0x1a: {  	[sflag:s18] =	ssyncset.done $0x0  }
0x1b: {  	[sflag:s18] =	ssyncadd.s32 $0xFFFFC000  }
0x1c: {  	[hbm4b:s5+s19] =	stream.strided.scatter [tilespmem:s17], [sflag:$0x2], $0x4000, s20, s19, $0x38;
	[tilespmem:$0x10800] =	vst v63  }
0x1d: {  	s1 =	rddreg [dreg:$0x3]  }
0x1e: {  	[tilespmem:s16], [sflag:$0x6] =	stream.linear.gather [hbm4b:s1+s2], $0x200, $0x38;
	[tilespmem:$0x10800] =	vst v63  }
0x1f: {  	_ =	swait.ge [sflag:s15], $0x200  }
0x20: {  	[sflag:s15] =	ssyncset.done $0x0  }
0x21: {  	[sflag:s15] =	ssyncadd.s32 $0xFFFFFE00  }
0x22: {  	[tilespmem:s21], [sflag:$0x1] =	stream.indirect.gather [hbm4b:s3+s16], $0x20, s16, s16, $0xb8;
	[tilespmem:$0x10800] =	vst v63  }
0x23: {  	_ =	swait.ge [sflag:s18], $0x4000  }
0x24: {  	[sflag:s18] =	ssyncset.done $0x0  }
0x25: {  	[sflag:s18] =	ssyncadd.s32 $0xFFFFC000  }
0x26: {  	[hbm4b:s7+s19] =	stream.strided.scatter [tilespmem:s21], [sflag:$0x3], $0x4000, s20, s19, $0x38;
	[tilespmem:$0x10800] =	vst v63  }
0x27: {  	_ = 	snop  }
0x28: {  	[tilespmem:s22], [sflag:$0x6] =	stream.linear.gather [hbm4b:s8+s2], $0x200, $0x38;
	[tilespmem:$0x10800] =	vst v63  }
0x29: {  	_ =	swait.ge [sflag:s15], $0x200  }
0x2a: {  	[sflag:s15] =	ssyncset.done $0x0  }
0x2b: {  	[sflag:s15] =	ssyncadd.s32 $0xFFFFFE00  }
0x2c: {  	[tilespmem:s23], [sflag:$0x1] =	stream.indirect.gather [hbm4b:s3+s16], $0x20, s22, s16, $0xb8;
	[tilespmem:$0x10800] =	vst v63  }
0x2d: {  	_ =	swait.ge [sflag:s18], $0x4000  }
0x2e: {  	[sflag:s18] =	ssyncset.done $0x0  }
0x2f: {  	[sflag:s18] =	ssyncadd.s32 $0xFFFFC000  }
0x30: {  	[hbm4b:s9+s19] =	stream.strided.scatter [tilespmem:s23], [sflag:$0x4], $0x4000, s20, s19, $0x38;
	[tilespmem:$0x10800] =	vst v63  }
0x31: {  	_ = 	snop  }
0x32: {  	[tilespmem:s24], [sflag:$0x6] =	stream.linear.gather [hbm4b:s10+s2], $0x200, $0x38;
	[tilespmem:$0x10800] =	vst v63  }
0x33: {  	_ =	swait.ge [sflag:s15], $0x200  }
0x34: {  	[sflag:s15] =	ssyncset.done $0x0  }
0x35: {  	[sflag:s15] =	ssyncadd.s32 $0xFFFFFE00  }
0x36: {  	[tilespmem:s25], [sflag:$0x1] =	stream.indirect.gather [hbm4b:s3+s16], $0x20, s24, s16, $0xb8;
	[tilespmem:$0x10800] =	vst v63  }
0x37: {  	_ =	swait.ge [sflag:s18], $0x4000  }
0x38: {  	[sflag:s18] =	ssyncset.done $0x0  }
0x39: {  	[sflag:s18] =	ssyncadd.s32 $0xFFFFC000  }
0x3a: {  	[hbm4b:s11+s19] =	stream.strided.scatter [tilespmem:s25], [sflag:$0x5], $0x4000, s20, s19, $0x38;
	[tilespmem:$0x10800] =	vst v63  }
0x3b: {  	s4 =	sadd.s32 $0xFFFE8000, s14  }
0x3c: {  	[tilespmem:s2], [sflag:$0x6] =	stream.linear.gather [hbm4b:s4+s2], $0x200, $0x38;
	[tilespmem:$0x10800] =	vst v63  }
0x3d: {  	_ =	swait.ge [sflag:s15], $0x200  }
0x3e: {  	[sflag:s15] =	ssyncset.done $0x0  }
0x3f: {  	[sflag:s15] =	ssyncadd.s32 $0xFFFFFE00  }
0x40: {  	_ =	swait.ge [sflag:s26], $0x4000  }
0x41: {  	[sflag:s26] =	ssyncset.done $0x0  }
0x42: {  	[sflag:s26] =	ssyncadd.s32 $0xFFFFC000  }
0x43: {  	[tilespmem:s17], [sflag:$0x1] =	stream.indirect.gather [hbm4b:s3+s16], $0x20, s2, s16, $0xb8;
	[tilespmem:$0x10800] =	vst v63  }
0x44: {  	_ =	swait.ge [sflag:s18], $0x4000  }
0x45: {  	s1 =	sadd.s32 $0x0, s13;
	[sflag:s18] =	ssyncset.done $0x0  }
0x46: {  	s6 =	sadd.s32 $0x2000, s1;
	[sflag:s18] =	ssyncadd.s32 $0xFFFFC000  }
0x47: {  	[hbm4b:s6+s19] =	stream.strided.scatter [tilespmem:s17], [sflag:$0x2], $0x4000, s20, s19, $0x38;
	[tilespmem:$0x10800] =	vst v63  }
0x48: {  	s4 =	sadd.s32 $0xFFFF0000, s14  }
0x49: {  	[tilespmem:s16], [sflag:$0x6] =	stream.linear.gather [hbm4b:s4+s2], $0x200, $0x38;
	[tilespmem:$0x10800] =	vst v63  }
0x4a: {  	_ =	swait.ge [sflag:s15], $0x200  }
0x4b: {  	[sflag:s15] =	ssyncset.done $0x0  }
0x4c: {  	[sflag:s15] =	ssyncadd.s32 $0xFFFFFE00  }
0x4d: {  	_ =	swait.ge [sflag:s28], $0x4000  }
0x4e: {  	[sflag:s28] =	ssyncset.done $0x0  }
0x4f: {  	[sflag:s28] =	ssyncadd.s32 $0xFFFFC000  }
0x50: {  	[tilespmem:s21], [sflag:$0x1] =	stream.indirect.gather [hbm4b:s3+s16], $0x20, s16, s16, $0xb8;
	[tilespmem:$0x10800] =	vst v63  }
0x51: {  	_ =	swait.ge [sflag:s18], $0x4000  }
0x52: {  	[sflag:s18] =	ssyncset.done $0x0  }
0x53: {  	s6 =	sadd.s32 $0x2004, s1;
	[sflag:s18] =	ssyncadd.s32 $0xFFFFC000  }
0x54: {  	[hbm4b:s6+s19] =	stream.strided.scatter [tilespmem:s21], [sflag:$0x3], $0x4000, s20, s19, $0x38;
	[tilespmem:$0x10800] =	vst v63  }
0x55: {  	s4 =	sadd.s32 $0xFFFF8000, s14  }
0x56: {  	[tilespmem:s22], [sflag:$0x6] =	stream.linear.gather [hbm4b:s4+s2], $0x200, $0x38;
	[tilespmem:$0x10800] =	vst v63  }
0x57: {  	_ =	swait.ge [sflag:s15], $0x200  }
0x58: {  	[sflag:s15] =	ssyncset.done $0x0  }
0x59: {  	[sflag:s15] =	ssyncadd.s32 $0xFFFFFE00  }
0x5a: {  	_ =	swait.ge [sflag:s29], $0x4000  }
0x5b: {  	[sflag:s29] =	ssyncset.done $0x0  }
0x5c: {  	[sflag:s29] =	ssyncadd.s32 $0xFFFFC000  }
0x5d: {  	[tilespmem:s23], [sflag:$0x1] =	stream.indirect.gather [hbm4b:s3+s16], $0x20, s22, s16, $0xb8;
	[tilespmem:$0x10800] =	vst v63  }
0x5e: {  	_ =	swait.ge [sflag:s18], $0x4000  }
0x5f: {  	[sflag:s18] =	ssyncset.done $0x0  }
0x60: {  	s6 =	sadd.s32 $0x2008, s1;
	[sflag:s18] =	ssyncadd.s32 $0xFFFFC000  }
0x61: {  	[hbm4b:s6+s19] =	stream.strided.scatter [tilespmem:s23], [sflag:$0x4], $0x4000, s20, s19, $0x38;
	[tilespmem:$0x10800] =	vst v63  }
0x62: {  	_ = 	snop  }
0x63: {  	[tilespmem:s24], [sflag:$0x6] =	stream.linear.gather [hbm4b:s14+s2], $0x200, $0x38;
	[tilespmem:$0x10800] =	vst v63  }
0x64: {  	_ =	swait.ge [sflag:s15], $0x200  }
0x65: {  	[sflag:s15] =	ssyncset.done $0x0  }
0x66: {  	[sflag:s15] =	ssyncadd.s32 $0xFFFFFE00  }
0x67: {  	_ =	swait.ge [sflag:s30], $0x4000  }
0x68: {  	[sflag:s30] =	ssyncset.done $0x0  }
0x69: {  	[sflag:s30] =	ssyncadd.s32 $0xFFFFC000  }
0x6a: {  	[tilespmem:s25], [sflag:$0x1] =	stream.indirect.gather [hbm4b:s3+s16], $0x20, s24, s16, $0xb8;
	[tilespmem:$0x10800] =	vst v63  }
0x6b: {  	_ =	swait.ge [sflag:s18], $0x4000  }
0x6c: {  	s0 =	simm.s32 $0x2000;
	[sflag:s18] =	ssyncset.done $0x0  }
0x6d: {  	s4 =	sadd.s32 $0x200C, s1;
	s1 =	sadd.s32 $0x40, s14;
	[sflag:s18] =	ssyncadd.s32 $0xFFFFC000  }
.LBB2_2:
0x6e: {  	[hbm4b:s4+s19] =	stream.strided.scatter [tilespmem:s25], [sflag:$0x5], $0x4000, s20, s19, $0x38;
	[tilespmem:$0x10800] =	vst v63  }
0x6f: {  	s4 =	smov.u32 s0  }
0x70: {  	s6 =	sadd.s32 $0xFFFE8000, s1;
	p0 =	sne.s32 s0, $0x1C000;
	s0 =	sadd.s32 $0x2000, s0  }
0x71: {  	[tilespmem:s2], [sflag:$0x6] =	stream.linear.gather [hbm4b:s6+s2], $0x200, $0x38;
	[tilespmem:$0x10800] =	vst v63  }
0x72: {  	_ =	swait.ge [sflag:s15], $0x200  }
0x73: {  	[sflag:s15] =	ssyncset.done $0x0  }
0x74: {  	[sflag:s15] =	ssyncadd.s32 $0xFFFFFE00  }
0x75: {  	_ =	swait.ge [sflag:s26], $0x4000  }
0x76: {  	[sflag:s26] =	ssyncset.done $0x0  }
0x77: {  	[sflag:s26] =	ssyncadd.s32 $0xFFFFC000  }
0x78: {  	[tilespmem:s17], [sflag:$0x1] =	stream.indirect.gather [hbm4b:s3+s16], $0x20, s2, s16, $0xb8;
	[tilespmem:$0x10800] =	vst v63  }
0x79: {  	_ =	swait.ge [sflag:s18], $0x4000  }
0x7a: {  	s4 =	sadd.s32 s4, s13;
	[sflag:s18] =	ssyncset.done $0x0  }
0x7b: {  	s6 =	sadd.s32 $0x2000, s4;
	[sflag:s18] =	ssyncadd.s32 $0xFFFFC000  }
0x7c: {  	[hbm4b:s6+s19] =	stream.strided.scatter [tilespmem:s17], [sflag:$0x2], $0x4000, s20, s19, $0x38;
	[tilespmem:$0x10800] =	vst v63  }
0x7d: {  	s6 =	sadd.s32 $0xFFFF0000, s1  }
0x7e: {  	[tilespmem:s16], [sflag:$0x6] =	stream.linear.gather [hbm4b:s6+s2], $0x200, $0x38;
	[tilespmem:$0x10800] =	vst v63  }
0x7f: {  	_ =	swait.ge [sflag:s15], $0x200  }
0x80: {  	[sflag:s15] =	ssyncset.done $0x0  }
0x81: {  	[sflag:s15] =	ssyncadd.s32 $0xFFFFFE00  }
0x82: {  	_ =	swait.ge [sflag:s28], $0x4000  }
0x83: {  	[sflag:s28] =	ssyncset.done $0x0  }
0x84: {  	[sflag:s28] =	ssyncadd.s32 $0xFFFFC000  }
0x85: {  	[tilespmem:s21], [sflag:$0x1] =	stream.indirect.gather [hbm4b:s3+s16], $0x20, s16, s16, $0xb8;
	[tilespmem:$0x10800] =	vst v63  }
0x86: {  	_ =	swait.ge [sflag:s18], $0x4000  }
0x87: {  	[sflag:s18] =	ssyncset.done $0x0  }
0x88: {  	s6 =	sadd.s32 $0x2004, s4;
	[sflag:s18] =	ssyncadd.s32 $0xFFFFC000  }
0x89: {  	[hbm4b:s6+s19] =	stream.strided.scatter [tilespmem:s21], [sflag:$0x3], $0x4000, s20, s19, $0x38;
	[tilespmem:$0x10800] =	vst v63  }
0x8a: {  	s6 =	sadd.s32 $0xFFFF8000, s1  }
0x8b: {  	[tilespmem:s22], [sflag:$0x6] =	stream.linear.gather [hbm4b:s6+s2], $0x200, $0x38;
	[tilespmem:$0x10800] =	vst v63  }
0x8c: {  	_ =	swait.ge [sflag:s15], $0x200  }
0x8d: {  	[sflag:s15] =	ssyncset.done $0x0  }
0x8e: {  	[sflag:s15] =	ssyncadd.s32 $0xFFFFFE00  }
0x8f: {  	_ =	swait.ge [sflag:s29], $0x4000  }
0x90: {  	[sflag:s29] =	ssyncset.done $0x0  }
0x91: {  	[sflag:s29] =	ssyncadd.s32 $0xFFFFC000  }
0x92: {  	[tilespmem:s23], [sflag:$0x1] =	stream.indirect.gather [hbm4b:s3+s16], $0x20, s22, s16, $0xb8;
	[tilespmem:$0x10800] =	vst v63  }
0x93: {  	_ =	swait.ge [sflag:s18], $0x4000  }
0x94: {  	[sflag:s18] =	ssyncset.done $0x0  }
0x95: {  	s6 =	sadd.s32 $0x2008, s4;
	[sflag:s18] =	ssyncadd.s32 $0xFFFFC000  }
0x96: {  	[hbm4b:s6+s19] =	stream.strided.scatter [tilespmem:s23], [sflag:$0x4], $0x4000, s20, s19, $0x38;
	[tilespmem:$0x10800] =	vst v63  }
0x97: {  	_ = 	snop  }
0x98: {  	[tilespmem:s24], [sflag:$0x6] =	stream.linear.gather [hbm4b:s1+s2], $0x200, $0x38;
	[tilespmem:$0x10800] =	vst v63  }
0x99: {  	_ =	swait.ge [sflag:s15], $0x200  }
0x9a: {  	[sflag:s15] =	ssyncset.done $0x0  }
0x9b: {  	[sflag:s15] =	ssyncadd.s32 $0xFFFFFE00  }
0x9c: {  	_ =	swait.ge [sflag:s30], $0x4000  }
0x9d: {  	[sflag:s30] =	ssyncset.done $0x0  }
.Ltmp0:
0x9e: {  	[sflag:s30] =	ssyncadd.s32 $0xFFFFC000;
	(pc) =	sbr.rel @p0 .LBB2_2-.Ltmp0, $4  }
0x9f: {  	[tilespmem:s25], [sflag:$0x1] =	stream.indirect.gather [hbm4b:s3+s16], $0x20, s24, s16, $0xb8;
	[tilespmem:$0x10800] =	vst v63  }
0xa0: {  	_ =	swait.ge [sflag:s18], $0x4000  }
0xa1: {  	[sflag:s18] =	ssyncset.done $0x0  }
0xa2: {  	s4 =	sadd.s32 $0x200C, s4;
	s1 =	sadd.s32 $0x40, s1;
	[sflag:s18] =	ssyncadd.s32 $0xFFFFC000  }
0xa3: {  	[hbm4b:s4+s19] =	stream.strided.scatter [tilespmem:s25], [sflag:$0x5], $0x4000, s20, s19, $0x38;
	[tilespmem:$0x10800] =	vst v63  }
0xa4: {  	_ =	swait.ge [sflag:s26], $0x4000  }
0xa5: {  	[sflag:s26] =	ssyncset.done $0x0  }
0xa6: {  	[sflag:s26] =	ssyncadd.s32 $0xFFFFC000  }
0xa7: {  	_ =	swait.ge [sflag:s28], $0x4000  }
0xa8: {  	[sflag:s28] =	ssyncset.done $0x0  }
0xa9: {  	s31 =	sadd.s32 $0x1, s31;
	[sflag:s28] =	ssyncadd.s32 $0xFFFFC000  }
0xaa: {  	p0 =	sne.s32 s31, s12;
	_ =	swait.ge [sflag:s29], $0x4000  }
.Ltmp1:
0xab: {  	[sflag:s29] =	ssyncset.done $0x0;
	(pc) =	sbr.rel @p0 .LBB2_1-.Ltmp1, $4  }
0xac: {  	[sflag:s29] =	ssyncadd.s32 $0xFFFFC000  }
0xad: {  	_ =	swait.ge [sflag:s30], $0x4000  }
0xae: {  	[sflag:s30] =	ssyncset.done $0x0  }
0xaf: {  	[sflag:s30] =	ssyncadd.s32 $0xFFFFC000  }
0xb0: {  	_ =	sfence.sel $0x180000  }
0xb1: {  	[bflag:$0x0] =	sbarrier.arrive $0xFFFF  }
0xb2: {  	_ =	strace $0x9000004A  }
0xb3: {  	s0 =	stileid.u32;
	[bflag:$0x2] =	sbarrier.arrive $0xFFFF  }
0xb4: {  	p0 =	sne.s32 s0, $0x0;
	s0 =	rddreg [dreg:$0x1]  }
0xb5: {  	s0 =	sadd.s32 @!p0 $0x100000, s0  }
0xb6: {  	[sflag:s0] =	ssyncadd.tile.s32 @!p0 $0x1;
	_ =	shalt  }
.Lfunc_end2:
_tile_overlayer_lowered:
.L_overlay_start_2:
0xb7: {  	(tag) =	ssettag $0x2  }
0xb8: {  	s0 =	rddreg [dreg:$0x0];
	s2 =	stileid.u32  }
0xb9: {  	s1 =	rddreg [dreg:$0x1];
	p0 =	sne.s32 s2, $0x0  }
0xba: {  	s3 =	rddreg [dreg:$0x2];
	[bflag:$0x3] =	sbarrier.arrive $0xFFFF;
	s2 =	simm.s32 @!p0 $0x1C06  }
0xbb: {  	[timem:s3], [sflag:s2] =	dma.local @!p0 [hbm:s0], s1  }
0xbc: {  	s0 =	simm.s32 @!p0 $0x6  }
0xbd: {  	_ =	swait.ge @!p0 [sflag:s0], s1  }
0xbe: {  	s1 =	ssub.s32 @!p0 $0x0, s1;
	[sflag:s0] =	ssyncset.done @!p0 $0x0  }
0xbf: {  	[sflag:s0] =	ssyncadd.s32 @!p0 s1  }
0xc0: {  	[bflag:$0x3] =	sbarrier.arrive $0xFFFF  }
0xc1: {  	_ =	shalt  }

// kernel: kernel.13.cloned.1.call-start
scs
__scs_entry_jumppad:
0x0: {  	(pc) =	sbr.rel $0x88, $3  }
0x1: {  	(tag) =	ssettag $0x0;
	lr =	simm.s32 $0x1  }
0x2: {  	[smem:$0x3F96] =	sst lr;
	_ =	strace $0xD0000000  }
0x3: {  	_ = 	snop  }
0x4: {  	_ = 	snop  }
0x5: {  	_ = 	snop  }
0x6: {  	_ = 	snop  }
0x7: {  	_ = 	snop  }
__scs_overlays_trampoline_lowered:
0x8: {  	[smem:$0x3FA5] =	sst s0  }
0x9: {  	[smem:$0x3FA6] =	sst s1  }
0xa: {  	[smem:$0x3FA7] =	sst s2  }
0xb: {  	[smem:$0x3FA8] =	sst s3  }
0xc: {  	[smem:$0x3FA9] =	sst s4  }
0xd: {  	[smem:$0x3FAA] =	sst s5  }
0xe: {  	[smem:$0x3FAB] =	sst s6  }
0xf: {  	[smem:$0x3FAC] =	sst s7  }
0x10: {  	[smem:$0x3FAD] =	sst s8  }
0x11: {  	[smem:$0x3FAE] =	sst s9;
	s0 =	simm.s32 @!p0 $0x0  }
0x12: {  	s1 =	sld [smem:$0x3F94];
	s0 =	simm.s32 @p0 $0x1  }
0x13: {  	[smem:$0x3FAF] =	sst s0;
	s0 =	simm.s32 @!p1 $0x0  }
0x14: {  	s2 =	sld [smem:$0x3F93];
	s0 =	simm.s32 @p1 $0x1  }
0x15: {  	[smem:$0x3FB0] =	sst s0;
	s0 =	simm.s32 @!p2 $0x0  }
0x16: {  	s3 =	sld [smem:$0x3FDB];
	s0 =	simm.s32 @p2 $0x1  }
0x17: {  	s4 =	simm.s32 $0x1BF5;
	[smem:$0x3FB2] =	sst s0  }
0x18: {  	s0 =	sld [smem:$0x3F95];
	_ =	swait.ge [sflag:s4], $0x0  }
0x19: {  	s7 =	sld [smem:$0x3F96]  }
0x1a: {  	s8 =	sadd.s32 $0xFFFFE003, lr  }
0x1b: {  	s9 =	sadd.s32 $0xFFFFFEF7, lr;
	s5 =	simm.s32 $0xFFFFFFFF;
	p2 =	slt.u32 s8, $0xFFFFF086  }
0x1c: {  	p1 =	slt.u32 s9, $0xF7A;
	s5 =	simm.s32 @!p2 $0x0  }
0x1d: {  	s5 =	simm.s32 @p1 $0x1;
	p0 =	seq.s32 s7, s2  }
0x1e: {  	s7 =	smul.u32 @!p0 $0xF7A, s2;
	p2 =	seq.s32 @!p0 s5, $0x0  }
0x1f: {  	s9 =	smul.u32 $0xF7A, s1;
	s8 =	simm.s32 @!p0 $0x1BF5;
	p2 =	por !p2, p0  }
0x20: {  	[sflag:s8] =	ssyncset.s32 @!p0 $0xFFFFF086;
	s6 =	sadd.s32 @!p0 s3, s7;
	s7 =	simm.s32 @!p0 $0x108  }
0x21: {  	s3 =	sadd.s32 s3, s9;
	s6 =	sadd.s32 @!p0 $0x88, s6;
	s7 =	simm.s32 @p2 $0x1082  }
0x22: {  	[simem:s7], [sflag:s8] =	dma.local @!p0 [hbm:s6], $0xF7A  }
0x23: {  	s9 =	sor.u32 $0xD0000000, s2;
	s6 =	simm.s32 $0x108;
	_ =	swait.ge @!p0 [sflag:s8], $0x0  }
0x24: {  	s3 =	sadd.s32 $0x88, s3;
	s6 =	simm.s32 @!p1 $0x1082;
	[sflag:s4] =	ssyncset.s32 $0xFFFFF086  }
0x25: {  	[simem:s6], [sflag:s4] =	dma.local [hbm:s3], $0xF7A  }
0x26: {  	[smem:$0x3F96] =	sst s1;
	(tag) =	ssettag s2;
	_ =	strace s9  }
0x27: {  	s1 =	sld [smem:$0x3FA6]  }
0x28: {  	s2 =	sld [smem:$0x3FA7]  }
0x29: {  	s4 =	sld [smem:$0x3FA9]  }
0x2a: {  	p0 =	seq.s32 s5, $0x0;
	s5 =	sld [smem:$0x3FAA]  }
0x2b: {  	s6 =	sld [smem:$0x3FAB]  }
0x2c: {  	s7 =	sld [smem:$0x3FAC]  }
0x2d: {  	s3 =	simm.s32 $0x108;
	s8 =	sld [smem:$0x3FAD]  }
0x2e: {  	s3 =	simm.s32 @!p0 $0x1082;
	s9 =	sld [smem:$0x3FAE]  }
0x2f: {  	lr =	sadd.s32 s0, s3;
	s0 =	sld [smem:$0x3FA5]  }
0x30: {  	s3 =	sld [smem:$0x3FA8]  }
0x31: {  	[smem:$0x3FB1] =	sst s10  }
0x32: {  	s10 =	sld [smem:$0x3FAF];
	_ =	sdelay $0x3  }
0x33: {  	p0 =	seq.s32 s10, $0x1;
	s10 =	sld [smem:$0x3FB1];
	_ =	sdelay $0x3  }
0x34: {  	[smem:$0x3FB1] =	sst s10  }
0x35: {  	s10 =	sld [smem:$0x3FB0];
	_ =	sdelay $0x3  }
0x36: {  	p1 =	seq.s32 s10, $0x1;
	s10 =	sld [smem:$0x3FB1];
	_ =	sdelay $0x3  }
0x37: {  	[smem:$0x3FB1] =	sst s10  }
0x38: {  	s10 =	sld [smem:$0x3FB2]  }
0x39: {  	_ = 	snop;
	(pc) =	sbr.ind lr, $3  }
0x3a: {  	_ = 	snop  }
0x3b: {  	_ = 	snop  }
0x3c: {  	p2 =	seq.s32 s10, $0x1;
	s10 =	sld [smem:$0x3FB1]  }
0x3d: {  	_ =	shalt  }
0x3e: {  	_ =	shalt  }
0x3f: {  	_ =	shalt  }
0x40: {  	_ =	shalt  }
0x41: {  	_ =	shalt  }
0x42: {  	_ =	shalt  }
0x43: {  	_ =	shalt  }
0x44: {  	_ =	shalt  }
0x45: {  	_ =	shalt  }
0x46: {  	_ =	shalt  }
0x47: {  	_ =	shalt  }
0x48: {  	_ =	shalt  }
0x49: {  	_ =	shalt  }
0x4a: {  	_ =	shalt  }
0x4b: {  	_ =	shalt  }
0x4c: {  	_ =	shalt  }
0x4d: {  	_ =	shalt  }
0x4e: {  	_ =	shalt  }
0x4f: {  	_ =	shalt  }
0x50: {  	_ =	shalt  }
0x51: {  	_ =	shalt  }
0x52: {  	_ =	shalt  }
0x53: {  	_ =	shalt  }
0x54: {  	_ =	shalt  }
0x55: {  	_ =	shalt  }
0x56: {  	_ =	shalt  }
0x57: {  	_ =	shalt  }
0x58: {  	_ =	shalt  }
0x59: {  	_ =	shalt  }
0x5a: {  	_ =	shalt  }
0x5b: {  	_ =	shalt  }
0x5c: {  	_ =	shalt  }
0x5d: {  	_ =	shalt  }
0x5e: {  	_ =	shalt  }
0x5f: {  	_ =	shalt  }
0x60: {  	_ =	shalt  }
0x61: {  	_ =	shalt  }
0x62: {  	_ =	shalt  }
0x63: {  	_ =	shalt  }
0x64: {  	_ =	shalt  }
0x65: {  	_ =	shalt  }
0x66: {  	_ =	shalt  }
0x67: {  	_ =	shalt  }
0x68: {  	_ =	shalt  }
0x69: {  	_ =	shalt  }
0x6a: {  	_ =	shalt  }
0x6b: {  	_ =	shalt  }
0x6c: {  	_ =	shalt  }
0x6d: {  	_ =	shalt  }
0x6e: {  	_ =	shalt  }
0x6f: {  	_ =	shalt  }
0x70: {  	_ =	shalt  }
0x71: {  	_ =	shalt  }
0x72: {  	_ =	shalt  }
0x73: {  	_ =	shalt  }
0x74: {  	_ =	shalt  }
0x75: {  	_ =	shalt  }
0x76: {  	_ =	shalt  }
0x77: {  	_ =	shalt  }
0x78: {  	_ =	shalt  }
0x79: {  	_ =	shalt  }
0x7a: {  	_ =	shalt  }
0x7b: {  	_ =	shalt  }
0x7c: {  	_ =	shalt  }
0x7d: {  	_ =	shalt  }
0x7e: {  	_ =	shalt  }
0x7f: {  	_ =	shalt  }
0x80: {  	_ =	shalt  }
0x81: {  	_ =	shalt  }
0x82: {  	_ =	shalt  }
0x83: {  	_ =	shalt  }
0x84: {  	_ =	shalt  }
0x85: {  	_ =	shalt  }
0x86: {  	_ =	shalt  }
0x87: {  	_ =	shalt  }
.Lfunc_end0:
.L_simem_size_0:
called_computation.1_lowered:
.L_overlay_start_0:
0x88: {  	s2 =	sld [smem:$0x3FD9]  }
0x89: {  	s3 =	sld [smem:$0x3FFE];
	_ =	sdelay $0x1  }
0x8a: {  	s1 =	srdreg.scid  }
0x8b: {  	s0 =	sand.u32 $0x1, s1  }
0x8c: {  	s16 =	sshll.u32 s0, $0xA;
	s2 =	sadd.s32 s3, s2  }
0x8d: {  	s2 =	sadd.s32 s2, s16  }
0x8e: {  	[smem:$0x3FBD] =	sst s2  }
0x8f: {  	_ = 	snop  }
0x90: {  	(tm) =	ssettm $0x1  }
0x91: {  	s17 =	sld [smem:$0x3FFB];
	_ =	sdelay $0x3  }
0x92: {  	_ =	strace s17  }
0x93: {  	s2 =	sld [smem:$0x3FFC];
	_ =	sdelay $0x3  }
0x94: {  	_ =	strace s2  }
0x95: {  	s2 =	sld [smem:$0x3FFD];
	_ =	sdelay $0x3  }
0x96: {  	_ =	strace s2  }
0x97: {  	_ =	strace $0x8FFFFFFF  }
0x98: {  	s18 =	sld [smem:$0x3FDB];
	_ =	sdelay $0x1  }
0x99: {  	s19 =	simm.s32 $_scs_section_size  }
0x9a: {  	s4 =	simm.s32 $_size__tile_overlayer_lowered;
	s5 =	simm.s32 $_tile_overlayer_lowered  }
0x9b: {  	s22 =	simm.s32 $0x1BFF;
	s21 =	sshll.u32 s5, $0x1;
	s2 =	sadd.s32 s19, s18  }
0x9c: {  	s6 =	simm.s32 $0x0;
	s20 =	sshll.u32 s4, $0x1;
	s4 =	sadd.s32 s21, s2  }
0x9d: {  	[timem:s6], [sflag:s22] =	dma.local [hbm:s4], s20  }
0x9e: {  	_ =	swait.ge [sflag:s22], s20  }
0x9f: {  	s3 =	ssub.s32 $0x0, s20;
	[sflag:s22] =	ssyncset.done $0x0  }
0xa0: {  	[sflag:s22] =	ssyncadd.s32 s3;
	_ =	sdelay $0x1  }
0xa1: {  	s23 =	simm.s32 $0x1B8B  }
0xa2: {  	_ =	swait.ge [sflag:s23], $0x1  }
0xa3: {  	[sflag:s23] =	ssyncset.done $0x0  }
0xa4: {  	s25 =	simm.s32 $0x1B8E;
	s24 =	sld [smem:$0x3FFE];
	[sflag:s23] =	ssyncadd.s32 $0xFFFFFFFF  }
0xa5: {  	s26 =	simm.s32 $execute0_lowered;
	[smem:$0x3FD2] =	sst s25  }
0xa6: {  	s4 =	sshll.u32 s26, $0x1;
	_ =	strace $0x80000046;
	[dreg:$0x1] =	wrdreg $0xFFFFFFFF  }
0xa7: {  	s28 =	simm.s32 $_size_execute0_lowered;
	s2 =	sadd.s32 s2, s4;
	[dreg:$0x0] =	wrdreg $0x0  }
0xa8: {  	s4 =	sshll.u32 s28, $0x1;
	[dreg:$0x2] =	wrdreg s2  }
0xa9: {  	[dreg:$0x3] =	wrdreg s4  }
0xaa: {  	[dreg:$0x4] =	wrdreg $0xC0  }
0xab: {  	_ =	task [dreg:s6], $0x5FFFF  }
0xac: {  	[dreg:$0x1] =	wrdreg $0xFFFFFFFF  }
0xad: {  	[dreg:$0x0] =	wrdreg $0x60  }
0xae: {  	[dreg:$0x2] =	wrdreg s24  }
0xaf: {  	[dreg:$0x3] =	wrdreg $0xA  }
0xb0: {  	_ =	task.clear_ibuf [dreg:s6], $0x4FFFF;
	_ =	strace $0x90000046  }
0xb1: {  	s29 =	simm.s32 $0xA;
	_ =	strace $0x80000048  }
0xb2: {  	_ =	swait.ge [sflag:s29], $0x1  }
0xb3: {  	[sflag:s29] =	ssyncadd.s32 $0xFFFFFFFF  }
0xb4: {  	_ =	strace $0x90000048  }
0xb5: {  	_ =	sfence  }
0xb6: {  	s30 =	sld [smem:$0x0];
	_ =	sdelay $0x2  }
0xb7: {  	s31 =	sshll.u32 s1, $0xD;
	s1 =	sshrl.u32 s1, $0x2  }
0xb8: {  	s3 =	sand.u32 $0x4000, s31;
	s1 =	sadd.s32 s1, s30  }
0xb9: {  	s0 =	sor.u32 s3, s0;
	s1 =	sshll.u32 s1, $0x11  }
0xba: {  	s0 =	sor.u32 s1, s0  }
0xbb: {  	s0 =	sadd.s32 $0x8F2B, s0  }
0xbc: {  	[sflag:s0] =	ssyncadd.remote.s32 $0x1  }
0xbd: {  	_ =	sfence.sel $0xFFFF  }
0xbe: {  	[dreg:$0x0] =	wrdreg $0xFFFFFFFF;
	(pc) =	sbr.abs _section_cstart, $3  }
0xbf: {  	[dreg:$0x1] =	wrdreg $0xFFFFFFFF  }
0xc0: {  	_ =	task.clear_ibuf [dreg:s6], $0x2FFFF;
	_ =	strace $0x9FFFFFFF  }
0xc1: {  	(tm) =	ssettm $0x7FFFFFFF  }
tec
execute0_lowered:
.L_overlay_start_1:
0x0: {  	(tag) =	ssettag $0x1  }
0x1: {  	s0 =	rddreg [dreg:$0x0];
	s1 =	srdreg.scid  }
0x2: {  	s14 =	stileid.u32;
	s2 =	simm.s32 $0x0;
	s15 =	simm.s32 $0x6  }
0x3: {  	s16 =	simm.s32 $0x200;
	s17 =	simm.s32 $0x800;
	s18 =	simm.s32 $0x1  }
0x4: {  	s19 =	simm.s32 $0x20;
	s20 =	simm.s32 $0x80;
	s21 =	simm.s32 $0x4800  }
0x5: {  	s22 =	simm.s32 $0x400;
	s23 =	simm.s32 $0x8800;
	s28 =	simm.s32 $0x3  }
0x6: {  	s29 =	simm.s32 $0x4;
	s30 =	simm.s32 $0x5;
	s31 =	simm.s32 $0x0  }
0x7: {  	s1 =	sand.u32 $0x1, s1;
	s3 =	sshll.u32 s14, $0xD;
	[smem:$0x7FF] =	sst s2  }
0x8: {  	s13 =	sadd.s32 $0x50200, s0;
	s14 =	sshll.u32 s14, $0x11;
	s4 =	sshll.u32 s1, $0xC  }
0x9: {  	_ =	strace $0x80000047;
	s5 =	ssub.s32 $0x2, s1;
	s1 =	sshll.u32 s1, $0x10  }
0xa: {  	s4 =	sor.u32 s4, s3;
	s3 =	sadd.s32 $0x200, s0;
	s6 =	sshrl.u32 s5, $0x1  }
0xb: {  	s10 =	sshrl.u32 s4, $0x3;
	s12 =	ssub.s32 s5, s6;
	s24 =	sshll.u32 s4, $0x4  }
0xc: {  	s4 =	sor.u32 $0x200, s4;
	s8 =	sadd.s32 s10, s0;
	s5 =	sadd.s32 s13, s24  }
0xd: {  	s0 =	sadd.s32 $0x4C200, s0;
	s12 =	smax.u32 s12, $0x1;
	s13 =	sadd.s32 s14, s13  }
0xe: {  	s4 =	sshrl.u32 s4, $0x3;
	s24 =	simm.s32 $0x600;
	s25 =	sadd.s32 $0x40200, s8  }
0xf: {  	s26 =	sadd.s32 $0x44200, s8;
	s7 =	sadd.s32 $0x4, s5;
	s8 =	sadd.s32 $0x48200, s8  }
0x10: {  	s9 =	sadd.s32 $0x8, s5;
	s10 =	sadd.s32 s10, s0;
	s11 =	sadd.s32 $0xC, s5  }
0x11: {  	s13 =	sadd.s32 s1, s13;
	s14 =	sadd.s32 s4, s0;
	[dreg:$0x2] =	wrdreg s25  }
0x12: {  	[dreg:$0x3] =	wrdreg s26;
	s25 =	simm.s32 $0xC800;
	s26 =	simm.s32 $0x2  }
.LBB2_1:
0x13: {  	s0 =	rddreg [dreg:$0x2]  }
0x14: {  	[tilespmem:s2], [sflag:$0x6] =	stream.linear.gather [hbm4b:s0+s2], $0x200, $0x38;
	[tilespmem:$0x10800] =	vst v63  }
0x15: {  	_ =	swait.ge [sflag:s15], $0x200  }
0x16: {  	[sflag:s15] =	ssyncset.done $0x0  }
0x17: {  	[sflag:s15] =	ssyncadd.s32 $0xFFFFFE00  }
0x18: {  	[tilespmem:s17], [sflag:$0x1] =	stream.indirect.gather [hbm4b:s3+s16], $0x20, s2, s16, $0xb8;
	[tilespmem:$0x10800] =	vst v63  }
0x19: {  	_ =	swait.ge [sflag:s18], $0x4000  }
0x1a: {  	[sflag:s18] =	ssyncset.done $0x0  }
0x1b: {  	[sflag:s18] =	ssyncadd.s32 $0xFFFFC000  }
0x1c: {  	[hbm4b:s5+s19] =	stream.strided.scatter [tilespmem:s17], [sflag:$0x2], $0x4000, s20, s19, $0x38;
	[tilespmem:$0x10800] =	vst v63  }
0x1d: {  	s1 =	rddreg [dreg:$0x3]  }
0x1e: {  	[tilespmem:s16], [sflag:$0x6] =	stream.linear.gather [hbm4b:s1+s2], $0x200, $0x38;
	[tilespmem:$0x10800] =	vst v63  }
0x1f: {  	_ =	swait.ge [sflag:s15], $0x200  }
0x20: {  	[sflag:s15] =	ssyncset.done $0x0  }
0x21: {  	[sflag:s15] =	ssyncadd.s32 $0xFFFFFE00  }
0x22: {  	[tilespmem:s21], [sflag:$0x1] =	stream.indirect.gather [hbm4b:s3+s16], $0x20, s16, s16, $0xb8;
	[tilespmem:$0x10800] =	vst v63  }
0x23: {  	_ =	swait.ge [sflag:s18], $0x4000  }
0x24: {  	[sflag:s18] =	ssyncset.done $0x0  }
0x25: {  	[sflag:s18] =	ssyncadd.s32 $0xFFFFC000  }
0x26: {  	[hbm4b:s7+s19] =	stream.strided.scatter [tilespmem:s21], [sflag:$0x3], $0x4000, s20, s19, $0x38;
	[tilespmem:$0x10800] =	vst v63  }
0x27: {  	_ = 	snop  }
0x28: {  	[tilespmem:s22], [sflag:$0x6] =	stream.linear.gather [hbm4b:s8+s2], $0x200, $0x38;
	[tilespmem:$0x10800] =	vst v63  }
0x29: {  	_ =	swait.ge [sflag:s15], $0x200  }
0x2a: {  	[sflag:s15] =	ssyncset.done $0x0  }
0x2b: {  	[sflag:s15] =	ssyncadd.s32 $0xFFFFFE00  }
0x2c: {  	[tilespmem:s23], [sflag:$0x1] =	stream.indirect.gather [hbm4b:s3+s16], $0x20, s22, s16, $0xb8;
	[tilespmem:$0x10800] =	vst v63  }
0x2d: {  	_ =	swait.ge [sflag:s18], $0x4000  }
0x2e: {  	[sflag:s18] =	ssyncset.done $0x0  }
0x2f: {  	[sflag:s18] =	ssyncadd.s32 $0xFFFFC000  }
0x30: {  	[hbm4b:s9+s19] =	stream.strided.scatter [tilespmem:s23], [sflag:$0x4], $0x4000, s20, s19, $0x38;
	[tilespmem:$0x10800] =	vst v63  }
0x31: {  	_ = 	snop  }
0x32: {  	[tilespmem:s24], [sflag:$0x6] =	stream.linear.gather [hbm4b:s10+s2], $0x200, $0x38;
	[tilespmem:$0x10800] =	vst v63  }
0x33: {  	_ =	swait.ge [sflag:s15], $0x200  }
0x34: {  	[sflag:s15] =	ssyncset.done $0x0  }
0x35: {  	[sflag:s15] =	ssyncadd.s32 $0xFFFFFE00  }
0x36: {  	[tilespmem:s25], [sflag:$0x1] =	stream.indirect.gather [hbm4b:s3+s16], $0x20, s24, s16, $0xb8;
	[tilespmem:$0x10800] =	vst v63  }
0x37: {  	_ =	swait.ge [sflag:s18], $0x4000  }
0x38: {  	[sflag:s18] =	ssyncset.done $0x0  }
0x39: {  	[sflag:s18] =	ssyncadd.s32 $0xFFFFC000  }
0x3a: {  	[hbm4b:s11+s19] =	stream.strided.scatter [tilespmem:s25], [sflag:$0x5], $0x4000, s20, s19, $0x38;
	[tilespmem:$0x10800] =	vst v63  }
0x3b: {  	s4 =	sadd.s32 $0xFFFF4000, s14  }
0x3c: {  	[tilespmem:s2], [sflag:$0x6] =	stream.linear.gather [hbm4b:s4+s2], $0x200, $0x38;
	[tilespmem:$0x10800] =	vst v63  }
0x3d: {  	_ =	swait.ge [sflag:s15], $0x200  }
0x3e: {  	[sflag:s15] =	ssyncset.done $0x0  }
0x3f: {  	[sflag:s15] =	ssyncadd.s32 $0xFFFFFE00  }
0x40: {  	_ =	swait.ge [sflag:s26], $0x4000  }
0x41: {  	[sflag:s26] =	ssyncset.done $0x0  }
0x42: {  	[sflag:s26] =	ssyncadd.s32 $0xFFFFC000  }
0x43: {  	[tilespmem:s17], [sflag:$0x1] =	stream.indirect.gather [hbm4b:s3+s16], $0x20, s2, s16, $0xb8;
	[tilespmem:$0x10800] =	vst v63  }
0x44: {  	_ =	swait.ge [sflag:s18], $0x4000  }
0x45: {  	s1 =	sadd.s32 $0x0, s13;
	[sflag:s18] =	ssyncset.done $0x0  }
0x46: {  	s6 =	sadd.s32 $0x2000, s1;
	[sflag:s18] =	ssyncadd.s32 $0xFFFFC000  }
0x47: {  	[hbm4b:s6+s19] =	stream.strided.scatter [tilespmem:s17], [sflag:$0x2], $0x4000, s20, s19, $0x38;
	[tilespmem:$0x10800] =	vst v63  }
0x48: {  	s4 =	sadd.s32 $0xFFFF8000, s14  }
0x49: {  	[tilespmem:s16], [sflag:$0x6] =	stream.linear.gather [hbm4b:s4+s2], $0x200, $0x38;
	[tilespmem:$0x10800] =	vst v63  }
0x4a: {  	_ =	swait.ge [sflag:s15], $0x200  }
0x4b: {  	[sflag:s15] =	ssyncset.done $0x0  }
0x4c: {  	[sflag:s15] =	ssyncadd.s32 $0xFFFFFE00  }
0x4d: {  	_ =	swait.ge [sflag:s28], $0x4000  }
0x4e: {  	[sflag:s28] =	ssyncset.done $0x0  }
0x4f: {  	[sflag:s28] =	ssyncadd.s32 $0xFFFFC000  }
0x50: {  	[tilespmem:s21], [sflag:$0x1] =	stream.indirect.gather [hbm4b:s3+s16], $0x20, s16, s16, $0xb8;
	[tilespmem:$0x10800] =	vst v63  }
0x51: {  	_ =	swait.ge [sflag:s18], $0x4000  }
0x52: {  	[sflag:s18] =	ssyncset.done $0x0  }
0x53: {  	s6 =	sadd.s32 $0x2004, s1;
	[sflag:s18] =	ssyncadd.s32 $0xFFFFC000  }
0x54: {  	[hbm4b:s6+s19] =	stream.strided.scatter [tilespmem:s21], [sflag:$0x3], $0x4000, s20, s19, $0x38;
	[tilespmem:$0x10800] =	vst v63  }
0x55: {  	s4 =	sadd.s32 $0xFFFFC000, s14  }
0x56: {  	[tilespmem:s22], [sflag:$0x6] =	stream.linear.gather [hbm4b:s4+s2], $0x200, $0x38;
	[tilespmem:$0x10800] =	vst v63  }
0x57: {  	_ =	swait.ge [sflag:s15], $0x200  }
0x58: {  	[sflag:s15] =	ssyncset.done $0x0  }
0x59: {  	[sflag:s15] =	ssyncadd.s32 $0xFFFFFE00  }
0x5a: {  	_ =	swait.ge [sflag:s29], $0x4000  }
0x5b: {  	[sflag:s29] =	ssyncset.done $0x0  }
0x5c: {  	[sflag:s29] =	ssyncadd.s32 $0xFFFFC000  }
0x5d: {  	[tilespmem:s23], [sflag:$0x1] =	stream.indirect.gather [hbm4b:s3+s16], $0x20, s22, s16, $0xb8;
	[tilespmem:$0x10800] =	vst v63  }
0x5e: {  	_ =	swait.ge [sflag:s18], $0x4000  }
0x5f: {  	[sflag:s18] =	ssyncset.done $0x0  }
0x60: {  	s6 =	sadd.s32 $0x2008, s1;
	[sflag:s18] =	ssyncadd.s32 $0xFFFFC000  }
0x61: {  	[hbm4b:s6+s19] =	stream.strided.scatter [tilespmem:s23], [sflag:$0x4], $0x4000, s20, s19, $0x38;
	[tilespmem:$0x10800] =	vst v63  }
0x62: {  	_ = 	snop  }
0x63: {  	[tilespmem:s24], [sflag:$0x6] =	stream.linear.gather [hbm4b:s14+s2], $0x200, $0x38;
	[tilespmem:$0x10800] =	vst v63  }
0x64: {  	_ =	swait.ge [sflag:s15], $0x200  }
0x65: {  	[sflag:s15] =	ssyncset.done $0x0  }
0x66: {  	[sflag:s15] =	ssyncadd.s32 $0xFFFFFE00  }
0x67: {  	_ =	swait.ge [sflag:s30], $0x4000  }
0x68: {  	[sflag:s30] =	ssyncset.done $0x0  }
0x69: {  	[sflag:s30] =	ssyncadd.s32 $0xFFFFC000  }
0x6a: {  	[tilespmem:s25], [sflag:$0x1] =	stream.indirect.gather [hbm4b:s3+s16], $0x20, s24, s16, $0xb8;
	[tilespmem:$0x10800] =	vst v63  }
0x6b: {  	_ =	swait.ge [sflag:s18], $0x4000  }
0x6c: {  	s0 =	simm.s32 $0x2000;
	[sflag:s18] =	ssyncset.done $0x0  }
0x6d: {  	s4 =	sadd.s32 $0x200C, s1;
	s1 =	sadd.s32 $0x40, s14;
	[sflag:s18] =	ssyncadd.s32 $0xFFFFC000  }
.LBB2_2:
0x6e: {  	[hbm4b:s4+s19] =	stream.strided.scatter [tilespmem:s25], [sflag:$0x5], $0x4000, s20, s19, $0x38;
	[tilespmem:$0x10800] =	vst v63  }
0x6f: {  	s4 =	smov.u32 s0  }
0x70: {  	s6 =	sadd.s32 $0xFFFF4000, s1;
	p0 =	sne.s32 s0, $0xC000;
	s0 =	sadd.s32 $0x2000, s0  }
0x71: {  	[tilespmem:s2], [sflag:$0x6] =	stream.linear.gather [hbm4b:s6+s2], $0x200, $0x38;
	[tilespmem:$0x10800] =	vst v63  }
0x72: {  	_ =	swait.ge [sflag:s15], $0x200  }
0x73: {  	[sflag:s15] =	ssyncset.done $0x0  }
0x74: {  	[sflag:s15] =	ssyncadd.s32 $0xFFFFFE00  }
0x75: {  	_ =	swait.ge [sflag:s26], $0x4000  }
0x76: {  	[sflag:s26] =	ssyncset.done $0x0  }
0x77: {  	[sflag:s26] =	ssyncadd.s32 $0xFFFFC000  }
0x78: {  	[tilespmem:s17], [sflag:$0x1] =	stream.indirect.gather [hbm4b:s3+s16], $0x20, s2, s16, $0xb8;
	[tilespmem:$0x10800] =	vst v63  }
0x79: {  	_ =	swait.ge [sflag:s18], $0x4000  }
0x7a: {  	s4 =	sadd.s32 s4, s13;
	[sflag:s18] =	ssyncset.done $0x0  }
0x7b: {  	s6 =	sadd.s32 $0x2000, s4;
	[sflag:s18] =	ssyncadd.s32 $0xFFFFC000  }
0x7c: {  	[hbm4b:s6+s19] =	stream.strided.scatter [tilespmem:s17], [sflag:$0x2], $0x4000, s20, s19, $0x38;
	[tilespmem:$0x10800] =	vst v63  }
0x7d: {  	s6 =	sadd.s32 $0xFFFF8000, s1  }
0x7e: {  	[tilespmem:s16], [sflag:$0x6] =	stream.linear.gather [hbm4b:s6+s2], $0x200, $0x38;
	[tilespmem:$0x10800] =	vst v63  }
0x7f: {  	_ =	swait.ge [sflag:s15], $0x200  }
0x80: {  	[sflag:s15] =	ssyncset.done $0x0  }
0x81: {  	[sflag:s15] =	ssyncadd.s32 $0xFFFFFE00  }
0x82: {  	_ =	swait.ge [sflag:s28], $0x4000  }
0x83: {  	[sflag:s28] =	ssyncset.done $0x0  }
0x84: {  	[sflag:s28] =	ssyncadd.s32 $0xFFFFC000  }
0x85: {  	[tilespmem:s21], [sflag:$0x1] =	stream.indirect.gather [hbm4b:s3+s16], $0x20, s16, s16, $0xb8;
	[tilespmem:$0x10800] =	vst v63  }
0x86: {  	_ =	swait.ge [sflag:s18], $0x4000  }
0x87: {  	[sflag:s18] =	ssyncset.done $0x0  }
0x88: {  	s6 =	sadd.s32 $0x2004, s4;
	[sflag:s18] =	ssyncadd.s32 $0xFFFFC000  }
0x89: {  	[hbm4b:s6+s19] =	stream.strided.scatter [tilespmem:s21], [sflag:$0x3], $0x4000, s20, s19, $0x38;
	[tilespmem:$0x10800] =	vst v63  }
0x8a: {  	s6 =	sadd.s32 $0xFFFFC000, s1  }
0x8b: {  	[tilespmem:s22], [sflag:$0x6] =	stream.linear.gather [hbm4b:s6+s2], $0x200, $0x38;
	[tilespmem:$0x10800] =	vst v63  }
0x8c: {  	_ =	swait.ge [sflag:s15], $0x200  }
0x8d: {  	[sflag:s15] =	ssyncset.done $0x0  }
0x8e: {  	[sflag:s15] =	ssyncadd.s32 $0xFFFFFE00  }
0x8f: {  	_ =	swait.ge [sflag:s29], $0x4000  }
0x90: {  	[sflag:s29] =	ssyncset.done $0x0  }
0x91: {  	[sflag:s29] =	ssyncadd.s32 $0xFFFFC000  }
0x92: {  	[tilespmem:s23], [sflag:$0x1] =	stream.indirect.gather [hbm4b:s3+s16], $0x20, s22, s16, $0xb8;
	[tilespmem:$0x10800] =	vst v63  }
0x93: {  	_ =	swait.ge [sflag:s18], $0x4000  }
0x94: {  	[sflag:s18] =	ssyncset.done $0x0  }
0x95: {  	s6 =	sadd.s32 $0x2008, s4;
	[sflag:s18] =	ssyncadd.s32 $0xFFFFC000  }
0x96: {  	[hbm4b:s6+s19] =	stream.strided.scatter [tilespmem:s23], [sflag:$0x4], $0x4000, s20, s19, $0x38;
	[tilespmem:$0x10800] =	vst v63  }
0x97: {  	_ = 	snop  }
0x98: {  	[tilespmem:s24], [sflag:$0x6] =	stream.linear.gather [hbm4b:s1+s2], $0x200, $0x38;
	[tilespmem:$0x10800] =	vst v63  }
0x99: {  	_ =	swait.ge [sflag:s15], $0x200  }
0x9a: {  	[sflag:s15] =	ssyncset.done $0x0  }
0x9b: {  	[sflag:s15] =	ssyncadd.s32 $0xFFFFFE00  }
0x9c: {  	_ =	swait.ge [sflag:s30], $0x4000  }
0x9d: {  	[sflag:s30] =	ssyncset.done $0x0  }
.Ltmp0:
0x9e: {  	[sflag:s30] =	ssyncadd.s32 $0xFFFFC000;
	(pc) =	sbr.rel @p0 .LBB2_2-.Ltmp0, $4  }
0x9f: {  	[tilespmem:s25], [sflag:$0x1] =	stream.indirect.gather [hbm4b:s3+s16], $0x20, s24, s16, $0xb8;
	[tilespmem:$0x10800] =	vst v63  }
0xa0: {  	_ =	swait.ge [sflag:s18], $0x4000  }
0xa1: {  	[sflag:s18] =	ssyncset.done $0x0  }
0xa2: {  	s4 =	sadd.s32 $0x200C, s4;
	s1 =	sadd.s32 $0x40, s1;
	[sflag:s18] =	ssyncadd.s32 $0xFFFFC000  }
0xa3: {  	[hbm4b:s4+s19] =	stream.strided.scatter [tilespmem:s25], [sflag:$0x5], $0x4000, s20, s19, $0x38;
	[tilespmem:$0x10800] =	vst v63  }
0xa4: {  	_ =	swait.ge [sflag:s26], $0x4000  }
0xa5: {  	[sflag:s26] =	ssyncset.done $0x0  }
0xa6: {  	[sflag:s26] =	ssyncadd.s32 $0xFFFFC000  }
0xa7: {  	_ =	swait.ge [sflag:s28], $0x4000  }
0xa8: {  	[sflag:s28] =	ssyncset.done $0x0  }
0xa9: {  	s31 =	sadd.s32 $0x1, s31;
	[sflag:s28] =	ssyncadd.s32 $0xFFFFC000  }
0xaa: {  	p0 =	sne.s32 s31, s12;
	_ =	swait.ge [sflag:s29], $0x4000  }
.Ltmp1:
0xab: {  	[sflag:s29] =	ssyncset.done $0x0;
	(pc) =	sbr.rel @p0 .LBB2_1-.Ltmp1, $4  }
0xac: {  	[sflag:s29] =	ssyncadd.s32 $0xFFFFC000  }
0xad: {  	_ =	swait.ge [sflag:s30], $0x4000  }
0xae: {  	[sflag:s30] =	ssyncset.done $0x0  }
0xaf: {  	[sflag:s30] =	ssyncadd.s32 $0xFFFFC000  }
0xb0: {  	_ =	sfence.sel $0x180000  }
0xb1: {  	[bflag:$0x0] =	sbarrier.arrive $0xFFFF  }
0xb2: {  	_ =	strace $0x90000047  }
0xb3: {  	s0 =	stileid.u32;
	[bflag:$0x2] =	sbarrier.arrive $0xFFFF  }
0xb4: {  	p0 =	sne.s32 s0, $0x0;
	s0 =	rddreg [dreg:$0x1]  }
0xb5: {  	s0 =	sadd.s32 @!p0 $0x100000, s0  }
0xb6: {  	[sflag:s0] =	ssyncadd.tile.s32 @!p0 $0x1;
	_ =	shalt  }
.Lfunc_end2:
_tile_overlayer_lowered:
.L_overlay_start_2:
0xb7: {  	(tag) =	ssettag $0x2  }
0xb8: {  	s0 =	rddreg [dreg:$0x0];
	s2 =	stileid.u32  }
0xb9: {  	s1 =	rddreg [dreg:$0x1];
	p0 =	sne.s32 s2, $0x0  }
0xba: {  	s3 =	rddreg [dreg:$0x2];
	[bflag:$0x3] =	sbarrier.arrive $0xFFFF;
	s2 =	simm.s32 @!p0 $0x1C06  }
0xbb: {  	[timem:s3], [sflag:s2] =	dma.local @!p0 [hbm:s0], s1  }
0xbc: {  	s0 =	simm.s32 @!p0 $0x6  }
0xbd: {  	_ =	swait.ge @!p0 [sflag:s0], s1  }
0xbe: {  	s1 =	ssub.s32 @!p0 $0x0, s1;
	[sflag:s0] =	ssyncset.done @!p0 $0x0  }
0xbf: {  	[sflag:s0] =	ssyncadd.s32 @!p0 s1  }
0xc0: {  	[bflag:$0x3] =	sbarrier.arrive $0xFFFF  }
0xc1: {  	_ =	shalt  }

</sc_bundles>
